<compile_context>
chip_gen: v7x
topology: tpu7x:2x2x1
jax: 0.10.2.dev20260603
libtpu: 0.0.44.dev20260713+nightly
codegen_flags: <defaults>
</compile_context>

<pallas_src>
import functools

import jax
import jax.numpy as jnp
from jax import lax
from jax.experimental import pallas as pl
from jax.experimental.pallas import tpu as pltpu
from jax.experimental.pallas import tpu_sc as plsc

_K = 1024
_D = 64
_B = 1024
_COMMITMENT_COST = 1.0


def _vq_tc(xt_ref, et_ref, qt_ref, idx_ref, loss_ref):
    xt = xt_ref[:].reshape(_D, _B)
    et = et_ref[:]
    en = jnp.sum(et * et, axis=0)
    prod = jax.lax.dot_general(
        et, xt, (((0,), (0,)), ((), ())), preferred_element_type=jnp.float32
    )
    dist = en[:, None] - 2.0 * prod
    idx = jnp.argmin(dist, axis=0).astype(jnp.int32)
    idx_ref[:] = idx
    iota = jax.lax.broadcasted_iota(jnp.int32, (_K, _B), 0)
    oh = (iota == idx[None, :]).astype(jnp.bfloat16)
    qt = jax.lax.dot_general(
        et.astype(jnp.bfloat16), oh, (((1,), (0,)), ((), ())),
        preferred_element_type=jnp.float32,
    )
    qt_ref[:] = qt

    i = pl.program_id(0)

    @pl.when(i == 0)
    def _init():
        loss_ref[0, 0] = 0.0

    loss_ref[0, 0] += jnp.sum((xt - qt) ** 2)


def kernel(inputs, embedding):
    g, bper, _ = inputs.shape
    n = g * bper
    xt3 = jnp.transpose(inputs, (0, 2, 1))
    et = embedding.T
    qt, idx, losssum = pl.pallas_call(
        _vq_tc,
        grid=(n // _B,),
        in_specs=[
            pl.BlockSpec((_B // bper, _D, bper), lambda i: (i, 0, 0)),
            pl.BlockSpec((_D, _K), lambda i: (0, 0)),
        ],
        out_specs=[
            pl.BlockSpec((_D, _B), lambda i: (0, i)),
            pl.BlockSpec((_B,), lambda i: (i,)),
            pl.BlockSpec((1, 1), lambda i: (0, 0), memory_space=pltpu.SMEM),
        ],
        out_shape=[
            jax.ShapeDtypeStruct((_D, n), jnp.float32),
            jax.ShapeDtypeStruct((n,), jnp.int32),
            jax.ShapeDtypeStruct((1, 1), jnp.float32),
        ],
    )(xt3, et)
    loss = _COMMITMENT_COST * (losssum[0, 0] / (n * _D))
    q = _sc_gather(embedding, idx)
    return q, loss, idx


_NC = 2
_NS = 16
_NW = _NC * _NS
_CHUNK = 128
_CPW = 16


def _sc_gather(embedding, idx):
    epad = jnp.pad(embedding, ((0, 0), (0, _CHUNK - _D)))
    idx3 = idx.reshape(_NW, _CPW, _CHUNK)
    mesh = plsc.VectorSubcoreMesh(core_axis_name="c", subcore_axis_name="s")

    @functools.partial(
        pl.kernel,
        mesh=mesh,
        out_type=jax.ShapeDtypeStruct((_NW, _CPW, _CHUNK, _CHUNK), jnp.float32),
        scratch_types=[
            pltpu.VMEM((_CPW, _CHUNK), jnp.int32),
            pltpu.VMEM((4, _CHUNK, _CHUNK), jnp.float32),
            pltpu.SemaphoreType.DMA,
        ],
    )
    def gather_k(e_hbm, idx_hbm, out_hbm, idx_v, rows_v, sem):
        wid = lax.axis_index("c") * _NS + lax.axis_index("s")
        pltpu.sync_copy(idx_hbm.at[wid], idx_v)
        for grp in range(4):
            handles = []
            for b in range(4):
                j = grp * 4 + b
                handles.append(
                    pltpu.async_copy(e_hbm.at[idx_v.at[j]], rows_v.at[b], sem)
                )
            for h in handles:
                h.wait()
            for b in range(4):
                j = grp * 4 + b
                pltpu.sync_copy(rows_v.at[b], out_hbm.at[wid, j])

    out = gather_k(epad, idx3)
    return out.reshape(_NW * _CPW * _CHUNK, _CHUNK)[:, :_D]

# --- scband reference (transcript-rebuilt; emitter-appended) ---
"""Pipeline reference for scband-vqembedding-59691455480165 (READ-ONLY COPY).

The authoritative reference and input builder live on the scoring server;
editing this copy changes nothing except your own understanding.
"""

import jax, jax.numpy as jnp
import numpy as np

NUM_EMBEDDINGS = 1024
EMBEDDING_DIM = 64
COMMITMENT_COST = 1.0


def setup_inputs(seed: int = 0) -> dict:
    key = jax.random.key(seed)
    k1, k2 = jax.random.split(key)
    inputs = jax.random.normal(k1, (64, 1024, EMBEDDING_DIM), dtype=jnp.float32)
    embedding = jax.random.normal(k2, (NUM_EMBEDDINGS, EMBEDDING_DIM), dtype=jnp.float32)
    return {"inputs": inputs, "embedding": embedding}


def reference(inputs, embedding):
    # eval-mode forward of VQEmbedding (EMA buffer updates skipped: self.training=False)
    x = inputs.reshape(-1, EMBEDDING_DIM)
    # squared L2 distances: ||x||^2 + ||e||^2 - 2 x e^T
    distances = (
        jnp.sum(x ** 2, axis=1, keepdims=True)
        + jnp.sum(embedding ** 2, axis=1)
        - 2.0 * jnp.matmul(x, embedding.T)
    )
    encoding_indices = jnp.argmin(distances, axis=1)
    # one_hot @ embedding == row gather from codebook
    quantized = jnp.take(embedding, encoding_indices, axis=0)
    commitment_loss = jnp.mean((x - jax.lax.stop_gradient(quantized)) ** 2)
    loss = COMMITMENT_COST * commitment_loss
    # straight-through estimator
    quantized_st = x + jax.lax.stop_gradient(quantized - x)
    # note: original code does view_as(inputs) AFTER inputs was reshaped to [-1, D],
    # so outputs stay flattened as [N, D] and indices as [N]
    return (quantized_st, loss, encoding_indices)

if __name__ == "__main__":
    import jax
    _d = setup_inputs()
    print(jax.jit(kernel)(*tuple(_d.values())))

</pallas_src>

<mosaic_0001>
#map = affine_map<(d0, d1) -> (0, 0)>
#map1 = affine_map<(d0, d1) -> (0, 0, 0)>
#map2 = affine_map<(d0, d1) -> (0, 0, 0, 0)>
module attributes {stable_mosaic.version = 14 : i64} {
  func.func @gather_k(%arg0: i32, %arg1: i32, %arg2: memref<1024x128xf32, #tpu.memory_space<hbm>>, %arg3: memref<32x16x128xi32, #tpu.memory_space<hbm>>, %arg4: memref<32x16x128x128xf32, #tpu.memory_space<hbm>>, %arg5: memref<16x128xi32, #tpu.memory_space<vmem>>, %arg6: memref<4x128x128xf32, #tpu.memory_space<vmem>>, %arg7: memref<!tpu.dma_semaphore, #tpu.memory_space<semaphore_mem>>) attributes {dimension_semantics = [#tpu.dimension_semantics<core_parallel>, #tpu.dimension_semantics<subcore_parallel>], iteration_bounds = array<i64: 2, 16>, scalar_prefetch = 0 : i64, scratch_operands = 3 : i64, tpu.core_type = #tpu.core_type<sc_vector_subcore>, window_params = [{transform_indices = #map}, {transform_indices = #map1}, {transform_indices = #map2}]} {
    %mul3A = arith.constant 16 : i32
    %mul3A_0 = arith.muli %arg0, %mul3A : i32
    %add3A = arith.addi %mul3A_0, %arg1 : i32
    "tpu.region"() ({
      %run_scoped3A_414 = tpu.sem_alloc : memref<!tpu.dma_semaphore, #tpu.memory_space<semaphore_mem>>
      %dma_start3A_415 = arith.constant 0 : i32
      %dma_start3A_416 = arith.constant 0 : i32
      %dma_start3A_417 = tpu.memref_slice %arg3[%add3A, %dma_start3A_415, %dma_start3A_416] : memref<32x16x128xi32, #tpu.memory_space<hbm>> -> memref<1x16x128xi32, #tpu.memory_space<hbm>>
      %dma_start3A_418 = tpu.memref_squeeze %dma_start3A_417 : memref<1x16x128xi32, #tpu.memory_space<hbm>> -> memref<16x128xi32, #tpu.memory_space<hbm>>
      %dma_start3A_419 = arith.constant 0 : i32
      %dma_start3A_420 = arith.constant 0 : i32
      %dma_start3A_421 = tpu.memref_slice %arg3[%add3A, %dma_start3A_419, %dma_start3A_420] : memref<32x16x128xi32, #tpu.memory_space<hbm>> -> memref<1x16x128xi32, #tpu.memory_space<hbm>>
      %dma_start3A_422 = tpu.memref_squeeze %dma_start3A_421 : memref<1x16x128xi32, #tpu.memory_space<hbm>> -> memref<16x128xi32, #tpu.memory_space<hbm>>
      tpu.enqueue_dma source(%dma_start3A_422 : memref<16x128xi32, #tpu.memory_space<hbm>>) target(%arg5 : memref<16x128xi32, #tpu.memory_space<vmem>>) target_semaphore(%run_scoped3A_414 : memref<!tpu.dma_semaphore, #tpu.memory_space<semaphore_mem>>)
      %dma_wait3A_423 = arith.constant 0 : i32
      %dma_wait3A_424 = arith.constant 0 : i32
      %dma_wait3A_425 = tpu.memref_slice %arg3[%add3A, %dma_wait3A_423, %dma_wait3A_424] : memref<32x16x128xi32, #tpu.memory_space<hbm>> -> memref<1x16x128xi32, #tpu.memory_space<hbm>>
      %dma_wait3A_426 = tpu.memref_squeeze %dma_wait3A_425 : memref<1x16x128xi32, #tpu.memory_space<hbm>> -> memref<16x128xi32, #tpu.memory_space<hbm>>
      %dma_wait3A_427 = arith.constant 0 : i32
      %dma_wait3A_428 = arith.constant 0 : i32
      %dma_wait3A_429 = tpu.memref_slice %arg3[%add3A, %dma_wait3A_427, %dma_wait3A_428] : memref<32x16x128xi32, #tpu.memory_space<hbm>> -> memref<1x16x128xi32, #tpu.memory_space<hbm>>
      %dma_wait3A_430 = tpu.memref_squeeze %dma_wait3A_429 : memref<1x16x128xi32, #tpu.memory_space<hbm>> -> memref<16x128xi32, #tpu.memory_space<hbm>>
      tpu.wait_dma2 semaphore(%run_scoped3A_414 : memref<!tpu.dma_semaphore, #tpu.memory_space<semaphore_mem>>) src(%dma_wait3A_430 : memref<16x128xi32, #tpu.memory_space<hbm>>) dst(%arg5 : memref<16x128xi32, #tpu.memory_space<vmem>>)
      tpu.yield
    }) : () -> ()
    %dma_start3A = arith.constant 0 : i32
    %dma_start3A_1 = arith.constant 0 : i32
    %dma_start3A_2 = arith.constant 0 : i32
    %dma_start3A_3 = arith.constant 0 : i32
    %dma_start3A_4 = tpu.memref_slice %arg6[%dma_start3A_1, %dma_start3A_2, %dma_start3A_3] : memref<4x128x128xf32, #tpu.memory_space<vmem>> -> memref<1x128x128xf32, #tpu.memory_space<vmem>>
    %dma_start3A_5 = tpu.memref_squeeze %dma_start3A_4 : memref<1x128x128xf32, #tpu.memory_space<vmem>> -> memref<128x128xf32, #tpu.memory_space<vmem>>
    %dma_start3A_6 = arith.constant 0 : i32
    %dma_start3A_7 = tpu.memref_slice %arg5[%dma_start3A, %dma_start3A_6] : memref<16x128xi32, #tpu.memory_space<vmem>> -> memref<1x128xi32, #tpu.memory_space<vmem>>
    %dma_start3A_8 = tpu.memref_squeeze %dma_start3A_7 : memref<1x128xi32, #tpu.memory_space<vmem>> -> memref<128xi32, #tpu.memory_space<vmem>>
    %dma_start3A_9 = arith.constant 0 : i32
    %dma_start3A_10 = arith.constant 0 : i32
    %dma_start3A_11 = tpu.memref_slice %arg2[%dma_start3A_9, %dma_start3A_10] : memref<1024x128xf32, #tpu.memory_space<hbm>> -> memref<1024x128xf32, #tpu.memory_space<hbm>>
    tpu.enqueue_indirect_dma source(%dma_start3A_11 : memref<1024x128xf32, #tpu.memory_space<hbm>>) target(%dma_start3A_5 : memref<128x128xf32, #tpu.memory_space<vmem>>) offsets(%dma_start3A_8 : memref<128xi32, #tpu.memory_space<vmem>>) semaphore(%arg7 : memref<!tpu.dma_semaphore, #tpu.memory_space<semaphore_mem>>)
    %dma_start3A_12 = arith.constant 1 : i32
    %dma_start3A_13 = arith.constant 1 : i32
    %dma_start3A_14 = arith.constant 0 : i32
    %dma_start3A_15 = arith.constant 0 : i32
    %dma_start3A_16 = tpu.memref_slice %arg6[%dma_start3A_13, %dma_start3A_14, %dma_start3A_15] : memref<4x128x128xf32, #tpu.memory_space<vmem>> -> memref<1x128x128xf32, #tpu.memory_space<vmem>>
    %dma_start3A_17 = tpu.memref_squeeze %dma_start3A_16 : memref<1x128x128xf32, #tpu.memory_space<vmem>> -> memref<128x128xf32, #tpu.memory_space<vmem>>
    %dma_start3A_18 = arith.constant 0 : i32
    %dma_start3A_19 = tpu.memref_slice %arg5[%dma_start3A_12, %dma_start3A_18] : memref<16x128xi32, #tpu.memory_space<vmem>> -> memref<1x128xi32, #tpu.memory_space<vmem>>
    %dma_start3A_20 = tpu.memref_squeeze %dma_start3A_19 : memref<1x128xi32, #tpu.memory_space<vmem>> -> memref<128xi32, #tpu.memory_space<vmem>>
    %dma_start3A_21 = arith.constant 0 : i32
    %dma_start3A_22 = arith.constant 0 : i32
    %dma_start3A_23 = tpu.memref_slice %arg2[%dma_start3A_21, %dma_start3A_22] : memref<1024x128xf32, #tpu.memory_space<hbm>> -> memref<1024x128xf32, #tpu.memory_space<hbm>>
    tpu.enqueue_indirect_dma source(%dma_start3A_23 : memref<1024x128xf32, #tpu.memory_space<hbm>>) target(%dma_start3A_17 : memref<128x128xf32, #tpu.memory_space<vmem>>) offsets(%dma_start3A_20 : memref<128xi32, #tpu.memory_space<vmem>>) semaphore(%arg7 : memref<!tpu.dma_semaphore, #tpu.memory_space<semaphore_mem>>)
    %dma_start3A_24 = arith.constant 2 : i32
    %dma_start3A_25 = arith.constant 2 : i32
    %dma_start3A_26 = arith.constant 0 : i32
    %dma_start3A_27 = arith.constant 0 : i32
    %dma_start3A_28 = tpu.memref_slice %arg6[%dma_start3A_25, %dma_start3A_26, %dma_start3A_27] : memref<4x128x128xf32, #tpu.memory_space<vmem>> -> memref<1x128x128xf32, #tpu.memory_space<vmem>>
    %dma_start3A_29 = tpu.memref_squeeze %dma_start3A_28 : memref<1x128x128xf32, #tpu.memory_space<vmem>> -> memref<128x128xf32, #tpu.memory_space<vmem>>
    %dma_start3A_30 = arith.constant 0 : i32
    %dma_start3A_31 = tpu.memref_slice %arg5[%dma_start3A_24, %dma_start3A_30] : memref<16x128xi32, #tpu.memory_space<vmem>> -> memref<1x128xi32, #tpu.memory_space<vmem>>
    %dma_start3A_32 = tpu.memref_squeeze %dma_start3A_31 : memref<1x128xi32, #tpu.memory_space<vmem>> -> memref<128xi32, #tpu.memory_space<vmem>>
    %dma_start3A_33 = arith.constant 0 : i32
    %dma_start3A_34 = arith.constant 0 : i32
    %dma_start3A_35 = tpu.memref_slice %arg2[%dma_start3A_33, %dma_start3A_34] : memref<1024x128xf32, #tpu.memory_space<hbm>> -> memref<1024x128xf32, #tpu.memory_space<hbm>>
    tpu.enqueue_indirect_dma source(%dma_start3A_35 : memref<1024x128xf32, #tpu.memory_space<hbm>>) target(%dma_start3A_29 : memref<128x128xf32, #tpu.memory_space<vmem>>) offsets(%dma_start3A_32 : memref<128xi32, #tpu.memory_space<vmem>>) semaphore(%arg7 : memref<!tpu.dma_semaphore, #tpu.memory_space<semaphore_mem>>)
    %dma_start3A_36 = arith.constant 3 : i32
    %dma_start3A_37 = arith.constant 3 : i32
    %dma_start3A_38 = arith.constant 0 : i32
    %dma_start3A_39 = arith.constant 0 : i32
    %dma_start3A_40 = tpu.memref_slice %arg6[%dma_start3A_37, %dma_start3A_38, %dma_start3A_39] : memref<4x128x128xf32, #tpu.memory_space<vmem>> -> memref<1x128x128xf32, #tpu.memory_space<vmem>>
    %dma_start3A_41 = tpu.memref_squeeze %dma_start3A_40 : memref<1x128x128xf32, #tpu.memory_space<vmem>> -> memref<128x128xf32, #tpu.memory_space<vmem>>
    %dma_start3A_42 = arith.constant 0 : i32
    %dma_start3A_43 = tpu.memref_slice %arg5[%dma_start3A_36, %dma_start3A_42] : memref<16x128xi32, #tpu.memory_space<vmem>> -> memref<1x128xi32, #tpu.memory_space<vmem>>
    %dma_start3A_44 = tpu.memref_squeeze %dma_start3A_43 : memref<1x128xi32, #tpu.memory_space<vmem>> -> memref<128xi32, #tpu.memory_space<vmem>>
    %dma_start3A_45 = arith.constant 0 : i32
    %dma_start3A_46 = arith.constant 0 : i32
    %dma_start3A_47 = tpu.memref_slice %arg2[%dma_start3A_45, %dma_start3A_46] : memref<1024x128xf32, #tpu.memory_space<hbm>> -> memref<1024x128xf32, #tpu.memory_space<hbm>>
    tpu.enqueue_indirect_dma source(%dma_start3A_47 : memref<1024x128xf32, #tpu.memory_space<hbm>>) target(%dma_start3A_41 : memref<128x128xf32, #tpu.memory_space<vmem>>) offsets(%dma_start3A_44 : memref<128xi32, #tpu.memory_space<vmem>>) semaphore(%arg7 : memref<!tpu.dma_semaphore, #tpu.memory_space<semaphore_mem>>)
    %dma_wait3A = arith.constant 0 : i32
    %dma_wait3A_48 = arith.constant 0 : i32
    %dma_wait3A_49 = arith.constant 0 : i32
    %dma_wait3A_50 = arith.constant 0 : i32
    %dma_wait3A_51 = tpu.memref_slice %arg6[%dma_wait3A_48, %dma_wait3A_49, %dma_wait3A_50] : memref<4x128x128xf32, #tpu.memory_space<vmem>> -> memref<1x128x128xf32, #tpu.memory_space<vmem>>
    %dma_wait3A_52 = tpu.memref_squeeze %dma_wait3A_51 : memref<1x128x128xf32, #tpu.memory_space<vmem>> -> memref<128x128xf32, #tpu.memory_space<vmem>>
    %dma_wait3A_53 = arith.constant 0 : i32
    %dma_wait3A_54 = tpu.memref_slice %arg5[%dma_wait3A, %dma_wait3A_53] : memref<16x128xi32, #tpu.memory_space<vmem>> -> memref<1x128xi32, #tpu.memory_space<vmem>>
    %dma_wait3A_55 = tpu.memref_squeeze %dma_wait3A_54 : memref<1x128xi32, #tpu.memory_space<vmem>> -> memref<128xi32, #tpu.memory_space<vmem>>
    %dma_wait3A_56 = arith.constant 0 : i32
    %dma_wait3A_57 = arith.constant 0 : i32
    %dma_wait3A_58 = tpu.memref_slice %arg2[%dma_wait3A_56, %dma_wait3A_57] : memref<1024x128xf32, #tpu.memory_space<hbm>> -> memref<1024x128xf32, #tpu.memory_space<hbm>>
    tpu.wait_indirect_dma semaphore(%arg7 : memref<!tpu.dma_semaphore, #tpu.memory_space<semaphore_mem>>) src(%dma_wait3A_58 : memref<1024x128xf32, #tpu.memory_space<hbm>>) dst(%dma_wait3A_52 : memref<128x128xf32, #tpu.memory_space<vmem>>)
    %dma_wait3A_59 = arith.constant 1 : i32
    %dma_wait3A_60 = arith.constant 1 : i32
    %dma_wait3A_61 = arith.constant 0 : i32
    %dma_wait3A_62 = arith.constant 0 : i32
    %dma_wait3A_63 = tpu.memref_slice %arg6[%dma_wait3A_60, %dma_wait3A_61, %dma_wait3A_62] : memref<4x128x128xf32, #tpu.memory_space<vmem>> -> memref<1x128x128xf32, #tpu.memory_space<vmem>>
    %dma_wait3A_64 = tpu.memref_squeeze %dma_wait3A_63 : memref<1x128x128xf32, #tpu.memory_space<vmem>> -> memref<128x128xf32, #tpu.memory_space<vmem>>
    %dma_wait3A_65 = arith.constant 0 : i32
    %dma_wait3A_66 = tpu.memref_slice %arg5[%dma_wait3A_59, %dma_wait3A_65] : memref<16x128xi32, #tpu.memory_space<vmem>> -> memref<1x128xi32, #tpu.memory_space<vmem>>
    %dma_wait3A_67 = tpu.memref_squeeze %dma_wait3A_66 : memref<1x128xi32, #tpu.memory_space<vmem>> -> memref<128xi32, #tpu.memory_space<vmem>>
    %dma_wait3A_68 = arith.constant 0 : i32
    %dma_wait3A_69 = arith.constant 0 : i32
    %dma_wait3A_70 = tpu.memref_slice %arg2[%dma_wait3A_68, %dma_wait3A_69] : memref<1024x128xf32, #tpu.memory_space<hbm>> -> memref<1024x128xf32, #tpu.memory_space<hbm>>
    tpu.wait_indirect_dma semaphore(%arg7 : memref<!tpu.dma_semaphore, #tpu.memory_space<semaphore_mem>>) src(%dma_wait3A_70 : memref<1024x128xf32, #tpu.memory_space<hbm>>) dst(%dma_wait3A_64 : memref<128x128xf32, #tpu.memory_space<vmem>>)
    %dma_wait3A_71 = arith.constant 2 : i32
    %dma_wait3A_72 = arith.constant 2 : i32
    %dma_wait3A_73 = arith.constant 0 : i32
    %dma_wait3A_74 = arith.constant 0 : i32
    %dma_wait3A_75 = tpu.memref_slice %arg6[%dma_wait3A_72, %dma_wait3A_73, %dma_wait3A_74] : memref<4x128x128xf32, #tpu.memory_space<vmem>> -> memref<1x128x128xf32, #tpu.memory_space<vmem>>
    %dma_wait3A_76 = tpu.memref_squeeze %dma_wait3A_75 : memref<1x128x128xf32, #tpu.memory_space<vmem>> -> memref<128x128xf32, #tpu.memory_space<vmem>>
    %dma_wait3A_77 = arith.constant 0 : i32
    %dma_wait3A_78 = tpu.memref_slice %arg5[%dma_wait3A_71, %dma_wait3A_77] : memref<16x128xi32, #tpu.memory_space<vmem>> -> memref<1x128xi32, #tpu.memory_space<vmem>>
    %dma_wait3A_79 = tpu.memref_squeeze %dma_wait3A_78 : memref<1x128xi32, #tpu.memory_space<vmem>> -> memref<128xi32, #tpu.memory_space<vmem>>
    %dma_wait3A_80 = arith.constant 0 : i32
    %dma_wait3A_81 = arith.constant 0 : i32
    %dma_wait3A_82 = tpu.memref_slice %arg2[%dma_wait3A_80, %dma_wait3A_81] : memref<1024x128xf32, #tpu.memory_space<hbm>> -> memref<1024x128xf32, #tpu.memory_space<hbm>>
    tpu.wait_indirect_dma semaphore(%arg7 : memref<!tpu.dma_semaphore, #tpu.memory_space<semaphore_mem>>) src(%dma_wait3A_82 : memref<1024x128xf32, #tpu.memory_space<hbm>>) dst(%dma_wait3A_76 : memref<128x128xf32, #tpu.memory_space<vmem>>)
    %dma_wait3A_83 = arith.constant 3 : i32
    %dma_wait3A_84 = arith.constant 3 : i32
    %dma_wait3A_85 = arith.constant 0 : i32
    %dma_wait3A_86 = arith.constant 0 : i32
    %dma_wait3A_87 = tpu.memref_slice %arg6[%dma_wait3A_84, %dma_wait3A_85, %dma_wait3A_86] : memref<4x128x128xf32, #tpu.memory_space<vmem>> -> memref<1x128x128xf32, #tpu.memory_space<vmem>>
    %dma_wait3A_88 = tpu.memref_squeeze %dma_wait3A_87 : memref<1x128x128xf32, #tpu.memory_space<vmem>> -> memref<128x128xf32, #tpu.memory_space<vmem>>
    %dma_wait3A_89 = arith.constant 0 : i32
    %dma_wait3A_90 = tpu.memref_slice %arg5[%dma_wait3A_83, %dma_wait3A_89] : memref<16x128xi32, #tpu.memory_space<vmem>> -> memref<1x128xi32, #tpu.memory_space<vmem>>
    %dma_wait3A_91 = tpu.memref_squeeze %dma_wait3A_90 : memref<1x128xi32, #tpu.memory_space<vmem>> -> memref<128xi32, #tpu.memory_space<vmem>>
    %dma_wait3A_92 = arith.constant 0 : i32
    %dma_wait3A_93 = arith.constant 0 : i32
    %dma_wait3A_94 = tpu.memref_slice %arg2[%dma_wait3A_92, %dma_wait3A_93] : memref<1024x128xf32, #tpu.memory_space<hbm>> -> memref<1024x128xf32, #tpu.memory_space<hbm>>
    tpu.wait_indirect_dma semaphore(%arg7 : memref<!tpu.dma_semaphore, #tpu.memory_space<semaphore_mem>>) src(%dma_wait3A_94 : memref<1024x128xf32, #tpu.memory_space<hbm>>) dst(%dma_wait3A_88 : memref<128x128xf32, #tpu.memory_space<vmem>>)
    %run_scoped3A = arith.constant 0 : i32
    %run_scoped3A_95 = arith.constant 0 : i32
    "tpu.region"() ({
      %run_scoped3A_414 = tpu.sem_alloc : memref<!tpu.dma_semaphore, #tpu.memory_space<semaphore_mem>>
      %dma_start3A_415 = arith.constant 0 : i32
      %dma_start3A_416 = arith.constant 0 : i32
      %dma_start3A_417 = tpu.memref_slice %arg6[%run_scoped3A, %dma_start3A_415, %dma_start3A_416] : memref<4x128x128xf32, #tpu.memory_space<vmem>> -> memref<1x128x128xf32, #tpu.memory_space<vmem>>
      %dma_start3A_418 = tpu.memref_squeeze %dma_start3A_417 : memref<1x128x128xf32, #tpu.memory_space<vmem>> -> memref<128x128xf32, #tpu.memory_space<vmem>>
      %dma_start3A_419 = arith.constant 0 : i32
      %dma_start3A_420 = arith.constant 0 : i32
      %dma_start3A_421 = tpu.memref_slice %arg4[%add3A, %run_scoped3A_95, %dma_start3A_419, %dma_start3A_420] : memref<32x16x128x128xf32, #tpu.memory_space<hbm>> -> memref<1x1x128x128xf32, #tpu.memory_space<hbm>>
      %dma_start3A_422 = tpu.memref_squeeze %dma_start3A_421 : memref<1x1x128x128xf32, #tpu.memory_space<hbm>> -> memref<128x128xf32, #tpu.memory_space<hbm>>
      %dma_start3A_423 = arith.constant 0 : i32
      %dma_start3A_424 = arith.constant 0 : i32
      %dma_start3A_425 = tpu.memref_slice %arg4[%add3A, %run_scoped3A_95, %dma_start3A_423, %dma_start3A_424] : memref<32x16x128x128xf32, #tpu.memory_space<hbm>> -> memref<1x1x128x128xf32, #tpu.memory_space<hbm>>
      %dma_start3A_426 = tpu.memref_squeeze %dma_start3A_425 : memref<1x1x128x128xf32, #tpu.memory_space<hbm>> -> memref<128x128xf32, #tpu.memory_space<hbm>>
      %dma_start3A_427 = arith.constant 0 : i32
      %dma_start3A_428 = arith.constant 0 : i32
      %dma_start3A_429 = tpu.memref_slice %arg6[%run_scoped3A, %dma_start3A_427, %dma_start3A_428] : memref<4x128x128xf32, #tpu.memory_space<vmem>> -> memref<1x128x128xf32, #tpu.memory_space<vmem>>
      %dma_start3A_430 = tpu.memref_squeeze %dma_start3A_429 : memref<1x128x128xf32, #tpu.memory_space<vmem>> -> memref<128x128xf32, #tpu.memory_space<vmem>>
      tpu.enqueue_dma source(%dma_start3A_430 : memref<128x128xf32, #tpu.memory_space<vmem>>) target(%dma_start3A_426 : memref<128x128xf32, #tpu.memory_space<hbm>>) target_semaphore(%run_scoped3A_414 : memref<!tpu.dma_semaphore, #tpu.memory_space<semaphore_mem>>)
      %dma_wait3A_431 = arith.constant 0 : i32
      %dma_wait3A_432 = arith.constant 0 : i32
      %dma_wait3A_433 = tpu.memref_slice %arg6[%run_scoped3A, %dma_wait3A_431, %dma_wait3A_432] : memref<4x128x128xf32, #tpu.memory_space<vmem>> -> memref<1x128x128xf32, #tpu.memory_space<vmem>>
      %dma_wait3A_434 = tpu.memref_squeeze %dma_wait3A_433 : memref<1x128x128xf32, #tpu.memory_space<vmem>> -> memref<128x128xf32, #tpu.memory_space<vmem>>
      %dma_wait3A_435 = arith.constant 0 : i32
      %dma_wait3A_436 = arith.constant 0 : i32
      %dma_wait3A_437 = tpu.memref_slice %arg4[%add3A, %run_scoped3A_95, %dma_wait3A_435, %dma_wait3A_436] : memref<32x16x128x128xf32, #tpu.memory_space<hbm>> -> memref<1x1x128x128xf32, #tpu.memory_space<hbm>>
      %dma_wait3A_438 = tpu.memref_squeeze %dma_wait3A_437 : memref<1x1x128x128xf32, #tpu.memory_space<hbm>> -> memref<128x128xf32, #tpu.memory_space<hbm>>
      %dma_wait3A_439 = arith.constant 0 : i32
      %dma_wait3A_440 = arith.constant 0 : i32
      %dma_wait3A_441 = tpu.memref_slice %arg4[%add3A, %run_scoped3A_95, %dma_wait3A_439, %dma_wait3A_440] : memref<32x16x128x128xf32, #tpu.memory_space<hbm>> -> memref<1x1x128x128xf32, #tpu.memory_space<hbm>>
      %dma_wait3A_442 = tpu.memref_squeeze %dma_wait3A_441 : memref<1x1x128x128xf32, #tpu.memory_space<hbm>> -> memref<128x128xf32, #tpu.memory_space<hbm>>
      %dma_wait3A_443 = arith.constant 0 : i32
      %dma_wait3A_444 = arith.constant 0 : i32
      %dma_wait3A_445 = tpu.memref_slice %arg6[%run_scoped3A, %dma_wait3A_443, %dma_wait3A_444] : memref<4x128x128xf32, #tpu.memory_space<vmem>> -> memref<1x128x128xf32, #tpu.memory_space<vmem>>
      %dma_wait3A_446 = tpu.memref_squeeze %dma_wait3A_445 : memref<1x128x128xf32, #tpu.memory_space<vmem>> -> memref<128x128xf32, #tpu.memory_space<vmem>>
      tpu.wait_dma2 semaphore(%run_scoped3A_414 : memref<!tpu.dma_semaphore, #tpu.memory_space<semaphore_mem>>) src(%dma_wait3A_446 : memref<128x128xf32, #tpu.memory_space<vmem>>) dst(%dma_wait3A_442 : memref<128x128xf32, #tpu.memory_space<hbm>>)
      tpu.yield
    }) : () -> ()
    %run_scoped3A_96 = arith.constant 1 : i32
    %run_scoped3A_97 = arith.constant 1 : i32
    "tpu.region"() ({
      %run_scoped3A_414 = tpu.sem_alloc : memref<!tpu.dma_semaphore, #tpu.memory_space<semaphore_mem>>
      %dma_start3A_415 = arith.constant 0 : i32
      %dma_start3A_416 = arith.constant 0 : i32
      %dma_start3A_417 = tpu.memref_slice %arg6[%run_scoped3A_96, %dma_start3A_415, %dma_start3A_416] : memref<4x128x128xf32, #tpu.memory_space<vmem>> -> memref<1x128x128xf32, #tpu.memory_space<vmem>>
      %dma_start3A_418 = tpu.memref_squeeze %dma_start3A_417 : memref<1x128x128xf32, #tpu.memory_space<vmem>> -> memref<128x128xf32, #tpu.memory_space<vmem>>
      %dma_start3A_419 = arith.constant 0 : i32
      %dma_start3A_420 = arith.constant 0 : i32
      %dma_start3A_421 = tpu.memref_slice %arg4[%add3A, %run_scoped3A_97, %dma_start3A_419, %dma_start3A_420] : memref<32x16x128x128xf32, #tpu.memory_space<hbm>> -> memref<1x1x128x128xf32, #tpu.memory_space<hbm>>
      %dma_start3A_422 = tpu.memref_squeeze %dma_start3A_421 : memref<1x1x128x128xf32, #tpu.memory_space<hbm>> -> memref<128x128xf32, #tpu.memory_space<hbm>>
      %dma_start3A_423 = arith.constant 0 : i32
      %dma_start3A_424 = arith.constant 0 : i32
      %dma_start3A_425 = tpu.memref_slice %arg4[%add3A, %run_scoped3A_97, %dma_start3A_423, %dma_start3A_424] : memref<32x16x128x128xf32, #tpu.memory_space<hbm>> -> memref<1x1x128x128xf32, #tpu.memory_space<hbm>>
      %dma_start3A_426 = tpu.memref_squeeze %dma_start3A_425 : memref<1x1x128x128xf32, #tpu.memory_space<hbm>> -> memref<128x128xf32, #tpu.memory_space<hbm>>
      %dma_start3A_427 = arith.constant 0 : i32
      %dma_start3A_428 = arith.constant 0 : i32
      %dma_start3A_429 = tpu.memref_slice %arg6[%run_scoped3A_96, %dma_start3A_427, %dma_start3A_428] : memref<4x128x128xf32, #tpu.memory_space<vmem>> -> memref<1x128x128xf32, #tpu.memory_space<vmem>>
      %dma_start3A_430 = tpu.memref_squeeze %dma_start3A_429 : memref<1x128x128xf32, #tpu.memory_space<vmem>> -> memref<128x128xf32, #tpu.memory_space<vmem>>
      tpu.enqueue_dma source(%dma_start3A_430 : memref<128x128xf32, #tpu.memory_space<vmem>>) target(%dma_start3A_426 : memref<128x128xf32, #tpu.memory_space<hbm>>) target_semaphore(%run_scoped3A_414 : memref<!tpu.dma_semaphore, #tpu.memory_space<semaphore_mem>>)
      %dma_wait3A_431 = arith.constant 0 : i32
      %dma_wait3A_432 = arith.constant 0 : i32
      %dma_wait3A_433 = tpu.memref_slice %arg6[%run_scoped3A_96, %dma_wait3A_431, %dma_wait3A_432] : memref<4x128x128xf32, #tpu.memory_space<vmem>> -> memref<1x128x128xf32, #tpu.memory_space<vmem>>
      %dma_wait3A_434 = tpu.memref_squeeze %dma_wait3A_433 : memref<1x128x128xf32, #tpu.memory_space<vmem>> -> memref<128x128xf32, #tpu.memory_space<vmem>>
      %dma_wait3A_435 = arith.constant 0 : i32
      %dma_wait3A_436 = arith.constant 0 : i32
      %dma_wait3A_437 = tpu.memref_slice %arg4[%add3A, %run_scoped3A_97, %dma_wait3A_435, %dma_wait3A_436] : memref<32x16x128x128xf32, #tpu.memory_space<hbm>> -> memref<1x1x128x128xf32, #tpu.memory_space<hbm>>
      %dma_wait3A_438 = tpu.memref_squeeze %dma_wait3A_437 : memref<1x1x128x128xf32, #tpu.memory_space<hbm>> -> memref<128x128xf32, #tpu.memory_space<hbm>>
      %dma_wait3A_439 = arith.constant 0 : i32
      %dma_wait3A_440 = arith.constant 0 : i32
      %dma_wait3A_441 = tpu.memref_slice %arg4[%add3A, %run_scoped3A_97, %dma_wait3A_439, %dma_wait3A_440] : memref<32x16x128x128xf32, #tpu.memory_space<hbm>> -> memref<1x1x128x128xf32, #tpu.memory_space<hbm>>
      %dma_wait3A_442 = tpu.memref_squeeze %dma_wait3A_441 : memref<1x1x128x128xf32, #tpu.memory_space<hbm>> -> memref<128x128xf32, #tpu.memory_space<hbm>>
      %dma_wait3A_443 = arith.constant 0 : i32
      %dma_wait3A_444 = arith.constant 0 : i32
      %dma_wait3A_445 = tpu.memref_slice %arg6[%run_scoped3A_96, %dma_wait3A_443, %dma_wait3A_444] : memref<4x128x128xf32, #tpu.memory_space<vmem>> -> memref<1x128x128xf32, #tpu.memory_space<vmem>>
      %dma_wait3A_446 = tpu.memref_squeeze %dma_wait3A_445 : memref<1x128x128xf32, #tpu.memory_space<vmem>> -> memref<128x128xf32, #tpu.memory_space<vmem>>
      tpu.wait_dma2 semaphore(%run_scoped3A_414 : memref<!tpu.dma_semaphore, #tpu.memory_space<semaphore_mem>>) src(%dma_wait3A_446 : memref<128x128xf32, #tpu.memory_space<vmem>>) dst(%dma_wait3A_442 : memref<128x128xf32, #tpu.memory_space<hbm>>)
      tpu.yield
    }) : () -> ()
    %run_scoped3A_98 = arith.constant 2 : i32
    %run_scoped3A_99 = arith.constant 2 : i32
    "tpu.region"() ({
      %run_scoped3A_414 = tpu.sem_alloc : memref<!tpu.dma_semaphore, #tpu.memory_space<semaphore_mem>>
      %dma_start3A_415 = arith.constant 0 : i32
      %dma_start3A_416 = arith.constant 0 : i32
      %dma_start3A_417 = tpu.memref_slice %arg6[%run_scoped3A_98, %dma_start3A_415, %dma_start3A_416] : memref<4x128x128xf32, #tpu.memory_space<vmem>> -> memref<1x128x128xf32, #tpu.memory_space<vmem>>
      %dma_start3A_418 = tpu.memref_squeeze %dma_start3A_417 : memref<1x128x128xf32, #tpu.memory_space<vmem>> -> memref<128x128xf32, #tpu.memory_space<vmem>>
      %dma_start3A_419 = arith.constant 0 : i32
      %dma_start3A_420 = arith.constant 0 : i32
      %dma_start3A_421 = tpu.memref_slice %arg4[%add3A, %run_scoped3A_99, %dma_start3A_419, %dma_start3A_420] : memref<32x16x128x128xf32, #tpu.memory_space<hbm>> -> memref<1x1x128x128xf32, #tpu.memory_space<hbm>>
      %dma_start3A_422 = tpu.memref_squeeze %dma_start3A_421 : memref<1x1x128x128xf32, #tpu.memory_space<hbm>> -> memref<128x128xf32, #tpu.memory_space<hbm>>
      %dma_start3A_423 = arith.constant 0 : i32
      %dma_start3A_424 = arith.constant 0 : i32
      %dma_start3A_425 = tpu.memref_slice %arg4[%add3A, %run_scoped3A_99, %dma_start3A_423, %dma_start3A_424] : memref<32x16x128x128xf32, #tpu.memory_space<hbm>> -> memref<1x1x128x128xf32, #tpu.memory_space<hbm>>
      %dma_start3A_426 = tpu.memref_squeeze %dma_start3A_425 : memref<1x1x128x128xf32, #tpu.memory_space<hbm>> -> memref<128x128xf32, #tpu.memory_space<hbm>>
      %dma_start3A_427 = arith.constant 0 : i32
      %dma_start3A_428 = arith.constant 0 : i32
      %dma_start3A_429 = tpu.memref_slice %arg6[%run_scoped3A_98, %dma_start3A_427, %dma_start3A_428] : memref<4x128x128xf32, #tpu.memory_space<vmem>> -> memref<1x128x128xf32, #tpu.memory_space<vmem>>
      %dma_start3A_430 = tpu.memref_squeeze %dma_start3A_429 : memref<1x128x128xf32, #tpu.memory_space<vmem>> -> memref<128x128xf32, #tpu.memory_space<vmem>>
      tpu.enqueue_dma source(%dma_start3A_430 : memref<128x128xf32, #tpu.memory_space<vmem>>) target(%dma_start3A_426 : memref<128x128xf32, #tpu.memory_space<hbm>>) target_semaphore(%run_scoped3A_414 : memref<!tpu.dma_semaphore, #tpu.memory_space<semaphore_mem>>)
      %dma_wait3A_431 = arith.constant 0 : i32
      %dma_wait3A_432 = arith.constant 0 : i32
      %dma_wait3A_433 = tpu.memref_slice %arg6[%run_scoped3A_98, %dma_wait3A_431, %dma_wait3A_432] : memref<4x128x128xf32, #tpu.memory_space<vmem>> -> memref<1x128x128xf32, #tpu.memory_space<vmem>>
      %dma_wait3A_434 = tpu.memref_squeeze %dma_wait3A_433 : memref<1x128x128xf32, #tpu.memory_space<vmem>> -> memref<128x128xf32, #tpu.memory_space<vmem>>
      %dma_wait3A_435 = arith.constant 0 : i32
      %dma_wait3A_436 = arith.constant 0 : i32
      %dma_wait3A_437 = tpu.memref_slice %arg4[%add3A, %run_scoped3A_99, %dma_wait3A_435, %dma_wait3A_436] : memref<32x16x128x128xf32, #tpu.memory_space<hbm>> -> memref<1x1x128x128xf32, #tpu.memory_space<hbm>>
      %dma_wait3A_438 = tpu.memref_squeeze %dma_wait3A_437 : memref<1x1x128x128xf32, #tpu.memory_space<hbm>> -> memref<128x128xf32, #tpu.memory_space<hbm>>
      %dma_wait3A_439 = arith.constant 0 : i32
      %dma_wait3A_440 = arith.constant 0 : i32
      %dma_wait3A_441 = tpu.memref_slice %arg4[%add3A, %run_scoped3A_99, %dma_wait3A_439, %dma_wait3A_440] : memref<32x16x128x128xf32, #tpu.memory_space<hbm>> -> memref<1x1x128x128xf32, #tpu.memory_space<hbm>>
      %dma_wait3A_442 = tpu.memref_squeeze %dma_wait3A_441 : memref<1x1x128x128xf32, #tpu.memory_space<hbm>> -> memref<128x128xf32, #tpu.memory_space<hbm>>
      %dma_wait3A_443 = arith.constant 0 : i32
      %dma_wait3A_444 = arith.constant 0 : i32
      %dma_wait3A_445 = tpu.memref_slice %arg6[%run_scoped3A_98, %dma_wait3A_443, %dma_wait3A_444] : memref<4x128x128xf32, #tpu.memory_space<vmem>> -> memref<1x128x128xf32, #tpu.memory_space<vmem>>
      %dma_wait3A_446 = tpu.memref_squeeze %dma_wait3A_445 : memref<1x128x128xf32, #tpu.memory_space<vmem>> -> memref<128x128xf32, #tpu.memory_space<vmem>>
      tpu.wait_dma2 semaphore(%run_scoped3A_414 : memref<!tpu.dma_semaphore, #tpu.memory_space<semaphore_mem>>) src(%dma_wait3A_446 : memref<128x128xf32, #tpu.memory_space<vmem>>) dst(%dma_wait3A_442 : memref<128x128xf32, #tpu.memory_space<hbm>>)
      tpu.yield
    }) : () -> ()
    %run_scoped3A_100 = arith.constant 3 : i32
    %run_scoped3A_101 = arith.constant 3 : i32
    "tpu.region"() ({
      %run_scoped3A_414 = tpu.sem_alloc : memref<!tpu.dma_semaphore, #tpu.memory_space<semaphore_mem>>
      %dma_start3A_415 = arith.constant 0 : i32
      %dma_start3A_416 = arith.constant 0 : i32
      %dma_start3A_417 = tpu.memref_slice %arg6[%run_scoped3A_100, %dma_start3A_415, %dma_start3A_416] : memref<4x128x128xf32, #tpu.memory_space<vmem>> -> memref<1x128x128xf32, #tpu.memory_space<vmem>>
      %dma_start3A_418 = tpu.memref_squeeze %dma_start3A_417 : memref<1x128x128xf32, #tpu.memory_space<vmem>> -> memref<128x128xf32, #tpu.memory_space<vmem>>
      %dma_start3A_419 = arith.constant 0 : i32
      %dma_start3A_420 = arith.constant 0 : i32
      %dma_start3A_421 = tpu.memref_slice %arg4[%add3A, %run_scoped3A_101, %dma_start3A_419, %dma_start3A_420] : memref<32x16x128x128xf32, #tpu.memory_space<hbm>> -> memref<1x1x128x128xf32, #tpu.memory_space<hbm>>
      %dma_start3A_422 = tpu.memref_squeeze %dma_start3A_421 : memref<1x1x128x128xf32, #tpu.memory_space<hbm>> -> memref<128x128xf32, #tpu.memory_space<hbm>>
      %dma_start3A_423 = arith.constant 0 : i32
      %dma_start3A_424 = arith.constant 0 : i32
      %dma_start3A_425 = tpu.memref_slice %arg4[%add3A, %run_scoped3A_101, %dma_start3A_423, %dma_start3A_424] : memref<32x16x128x128xf32, #tpu.memory_space<hbm>> -> memref<1x1x128x128xf32, #tpu.memory_space<hbm>>
      %dma_start3A_426 = tpu.memref_squeeze %dma_start3A_425 : memref<1x1x128x128xf32, #tpu.memory_space<hbm>> -> memref<128x128xf32, #tpu.memory_space<hbm>>
      %dma_start3A_427 = arith.constant 0 : i32
      %dma_start3A_428 = arith.constant 0 : i32
      %dma_start3A_429 = tpu.memref_slice %arg6[%run_scoped3A_100, %dma_start3A_427, %dma_start3A_428] : memref<4x128x128xf32, #tpu.memory_space<vmem>> -> memref<1x128x128xf32, #tpu.memory_space<vmem>>
      %dma_start3A_430 = tpu.memref_squeeze %dma_start3A_429 : memref<1x128x128xf32, #tpu.memory_space<vmem>> -> memref<128x128xf32, #tpu.memory_space<vmem>>
      tpu.enqueue_dma source(%dma_start3A_430 : memref<128x128xf32, #tpu.memory_space<vmem>>) target(%dma_start3A_426 : memref<128x128xf32, #tpu.memory_space<hbm>>) target_semaphore(%run_scoped3A_414 : memref<!tpu.dma_semaphore, #tpu.memory_space<semaphore_mem>>)
      %dma_wait3A_431 = arith.constant 0 : i32
      %dma_wait3A_432 = arith.constant 0 : i32
      %dma_wait3A_433 = tpu.memref_slice %arg6[%run_scoped3A_100, %dma_wait3A_431, %dma_wait3A_432] : memref<4x128x128xf32, #tpu.memory_space<vmem>> -> memref<1x128x128xf32, #tpu.memory_space<vmem>>
      %dma_wait3A_434 = tpu.memref_squeeze %dma_wait3A_433 : memref<1x128x128xf32, #tpu.memory_space<vmem>> -> memref<128x128xf32, #tpu.memory_space<vmem>>
      %dma_wait3A_435 = arith.constant 0 : i32
      %dma_wait3A_436 = arith.constant 0 : i32
      %dma_wait3A_437 = tpu.memref_slice %arg4[%add3A, %run_scoped3A_101, %dma_wait3A_435, %dma_wait3A_436] : memref<32x16x128x128xf32, #tpu.memory_space<hbm>> -> memref<1x1x128x128xf32, #tpu.memory_space<hbm>>
      %dma_wait3A_438 = tpu.memref_squeeze %dma_wait3A_437 : memref<1x1x128x128xf32, #tpu.memory_space<hbm>> -> memref<128x128xf32, #tpu.memory_space<hbm>>
      %dma_wait3A_439 = arith.constant 0 : i32
      %dma_wait3A_440 = arith.constant 0 : i32
      %dma_wait3A_441 = tpu.memref_slice %arg4[%add3A, %run_scoped3A_101, %dma_wait3A_439, %dma_wait3A_440] : memref<32x16x128x128xf32, #tpu.memory_space<hbm>> -> memref<1x1x128x128xf32, #tpu.memory_space<hbm>>
      %dma_wait3A_442 = tpu.memref_squeeze %dma_wait3A_441 : memref<1x1x128x128xf32, #tpu.memory_space<hbm>> -> memref<128x128xf32, #tpu.memory_space<hbm>>
      %dma_wait3A_443 = arith.constant 0 : i32
      %dma_wait3A_444 = arith.constant 0 : i32
      %dma_wait3A_445 = tpu.memref_slice %arg6[%run_scoped3A_100, %dma_wait3A_443, %dma_wait3A_444] : memref<4x128x128xf32, #tpu.memory_space<vmem>> -> memref<1x128x128xf32, #tpu.memory_space<vmem>>
      %dma_wait3A_446 = tpu.memref_squeeze %dma_wait3A_445 : memref<1x128x128xf32, #tpu.memory_space<vmem>> -> memref<128x128xf32, #tpu.memory_space<vmem>>
      tpu.wait_dma2 semaphore(%run_scoped3A_414 : memref<!tpu.dma_semaphore, #tpu.memory_space<semaphore_mem>>) src(%dma_wait3A_446 : memref<128x128xf32, #tpu.memory_space<vmem>>) dst(%dma_wait3A_442 : memref<128x128xf32, #tpu.memory_space<hbm>>)
      tpu.yield
    }) : () -> ()
    %dma_start3A_102 = arith.constant 4 : i32
    %dma_start3A_103 = arith.constant 0 : i32
    %dma_start3A_104 = arith.constant 0 : i32
    %dma_start3A_105 = arith.constant 0 : i32
    %dma_start3A_106 = tpu.memref_slice %arg6[%dma_start3A_103, %dma_start3A_104, %dma_start3A_105] : memref<4x128x128xf32, #tpu.memory_space<vmem>> -> memref<1x128x128xf32, #tpu.memory_space<vmem>>
    %dma_start3A_107 = tpu.memref_squeeze %dma_start3A_106 : memref<1x128x128xf32, #tpu.memory_space<vmem>> -> memref<128x128xf32, #tpu.memory_space<vmem>>
    %dma_start3A_108 = arith.constant 0 : i32
    %dma_start3A_109 = tpu.memref_slice %arg5[%dma_start3A_102, %dma_start3A_108] : memref<16x128xi32, #tpu.memory_space<vmem>> -> memref<1x128xi32, #tpu.memory_space<vmem>>
    %dma_start3A_110 = tpu.memref_squeeze %dma_start3A_109 : memref<1x128xi32, #tpu.memory_space<vmem>> -> memref<128xi32, #tpu.memory_space<vmem>>
    %dma_start3A_111 = arith.constant 0 : i32
    %dma_start3A_112 = arith.constant 0 : i32
    %dma_start3A_113 = tpu.memref_slice %arg2[%dma_start3A_111, %dma_start3A_112] : memref<1024x128xf32, #tpu.memory_space<hbm>> -> memref<1024x128xf32, #tpu.memory_space<hbm>>
    tpu.enqueue_indirect_dma source(%dma_start3A_113 : memref<1024x128xf32, #tpu.memory_space<hbm>>) target(%dma_start3A_107 : memref<128x128xf32, #tpu.memory_space<vmem>>) offsets(%dma_start3A_110 : memref<128xi32, #tpu.memory_space<vmem>>) semaphore(%arg7 : memref<!tpu.dma_semaphore, #tpu.memory_space<semaphore_mem>>)
    %dma_start3A_114 = arith.constant 5 : i32
    %dma_start3A_115 = arith.constant 1 : i32
    %dma_start3A_116 = arith.constant 0 : i32
    %dma_start3A_117 = arith.constant 0 : i32
    %dma_start3A_118 = tpu.memref_slice %arg6[%dma_start3A_115, %dma_start3A_116, %dma_start3A_117] : memref<4x128x128xf32, #tpu.memory_space<vmem>> -> memref<1x128x128xf32, #tpu.memory_space<vmem>>
    %dma_start3A_119 = tpu.memref_squeeze %dma_start3A_118 : memref<1x128x128xf32, #tpu.memory_space<vmem>> -> memref<128x128xf32, #tpu.memory_space<vmem>>
    %dma_start3A_120 = arith.constant 0 : i32
    %dma_start3A_121 = tpu.memref_slice %arg5[%dma_start3A_114, %dma_start3A_120] : memref<16x128xi32, #tpu.memory_space<vmem>> -> memref<1x128xi32, #tpu.memory_space<vmem>>
    %dma_start3A_122 = tpu.memref_squeeze %dma_start3A_121 : memref<1x128xi32, #tpu.memory_space<vmem>> -> memref<128xi32, #tpu.memory_space<vmem>>
    %dma_start3A_123 = arith.constant 0 : i32
    %dma_start3A_124 = arith.constant 0 : i32
    %dma_start3A_125 = tpu.memref_slice %arg2[%dma_start3A_123, %dma_start3A_124] : memref<1024x128xf32, #tpu.memory_space<hbm>> -> memref<1024x128xf32, #tpu.memory_space<hbm>>
    tpu.enqueue_indirect_dma source(%dma_start3A_125 : memref<1024x128xf32, #tpu.memory_space<hbm>>) target(%dma_start3A_119 : memref<128x128xf32, #tpu.memory_space<vmem>>) offsets(%dma_start3A_122 : memref<128xi32, #tpu.memory_space<vmem>>) semaphore(%arg7 : memref<!tpu.dma_semaphore, #tpu.memory_space<semaphore_mem>>)
    %dma_start3A_126 = arith.constant 6 : i32
    %dma_start3A_127 = arith.constant 2 : i32
    %dma_start3A_128 = arith.constant 0 : i32
    %dma_start3A_129 = arith.constant 0 : i32
    %dma_start3A_130 = tpu.memref_slice %arg6[%dma_start3A_127, %dma_start3A_128, %dma_start3A_129] : memref<4x128x128xf32, #tpu.memory_space<vmem>> -> memref<1x128x128xf32, #tpu.memory_space<vmem>>
    %dma_start3A_131 = tpu.memref_squeeze %dma_start3A_130 : memref<1x128x128xf32, #tpu.memory_space<vmem>> -> memref<128x128xf32, #tpu.memory_space<vmem>>
    %dma_start3A_132 = arith.constant 0 : i32
    %dma_start3A_133 = tpu.memref_slice %arg5[%dma_start3A_126, %dma_start3A_132] : memref<16x128xi32, #tpu.memory_space<vmem>> -> memref<1x128xi32, #tpu.memory_space<vmem>>
    %dma_start3A_134 = tpu.memref_squeeze %dma_start3A_133 : memref<1x128xi32, #tpu.memory_space<vmem>> -> memref<128xi32, #tpu.memory_space<vmem>>
    %dma_start3A_135 = arith.constant 0 : i32
    %dma_start3A_136 = arith.constant 0 : i32
    %dma_start3A_137 = tpu.memref_slice %arg2[%dma_start3A_135, %dma_start3A_136] : memref<1024x128xf32, #tpu.memory_space<hbm>> -> memref<1024x128xf32, #tpu.memory_space<hbm>>
    tpu.enqueue_indirect_dma source(%dma_start3A_137 : memref<1024x128xf32, #tpu.memory_space<hbm>>) target(%dma_start3A_131 : memref<128x128xf32, #tpu.memory_space<vmem>>) offsets(%dma_start3A_134 : memref<128xi32, #tpu.memory_space<vmem>>) semaphore(%arg7 : memref<!tpu.dma_semaphore, #tpu.memory_space<semaphore_mem>>)
    %dma_start3A_138 = arith.constant 7 : i32
    %dma_start3A_139 = arith.constant 3 : i32
    %dma_start3A_140 = arith.constant 0 : i32
    %dma_start3A_141 = arith.constant 0 : i32
    %dma_start3A_142 = tpu.memref_slice %arg6[%dma_start3A_139, %dma_start3A_140, %dma_start3A_141] : memref<4x128x128xf32, #tpu.memory_space<vmem>> -> memref<1x128x128xf32, #tpu.memory_space<vmem>>
    %dma_start3A_143 = tpu.memref_squeeze %dma_start3A_142 : memref<1x128x128xf32, #tpu.memory_space<vmem>> -> memref<128x128xf32, #tpu.memory_space<vmem>>
    %dma_start3A_144 = arith.constant 0 : i32
    %dma_start3A_145 = tpu.memref_slice %arg5[%dma_start3A_138, %dma_start3A_144] : memref<16x128xi32, #tpu.memory_space<vmem>> -> memref<1x128xi32, #tpu.memory_space<vmem>>
    %dma_start3A_146 = tpu.memref_squeeze %dma_start3A_145 : memref<1x128xi32, #tpu.memory_space<vmem>> -> memref<128xi32, #tpu.memory_space<vmem>>
    %dma_start3A_147 = arith.constant 0 : i32
    %dma_start3A_148 = arith.constant 0 : i32
    %dma_start3A_149 = tpu.memref_slice %arg2[%dma_start3A_147, %dma_start3A_148] : memref<1024x128xf32, #tpu.memory_space<hbm>> -> memref<1024x128xf32, #tpu.memory_space<hbm>>
    tpu.enqueue_indirect_dma source(%dma_start3A_149 : memref<1024x128xf32, #tpu.memory_space<hbm>>) target(%dma_start3A_143 : memref<128x128xf32, #tpu.memory_space<vmem>>) offsets(%dma_start3A_146 : memref<128xi32, #tpu.memory_space<vmem>>) semaphore(%arg7 : memref<!tpu.dma_semaphore, #tpu.memory_space<semaphore_mem>>)
    %dma_wait3A_150 = arith.constant 4 : i32
    %dma_wait3A_151 = arith.constant 0 : i32
    %dma_wait3A_152 = arith.constant 0 : i32
    %dma_wait3A_153 = arith.constant 0 : i32
    %dma_wait3A_154 = tpu.memref_slice %arg6[%dma_wait3A_151, %dma_wait3A_152, %dma_wait3A_153] : memref<4x128x128xf32, #tpu.memory_space<vmem>> -> memref<1x128x128xf32, #tpu.memory_space<vmem>>
    %dma_wait3A_155 = tpu.memref_squeeze %dma_wait3A_154 : memref<1x128x128xf32, #tpu.memory_space<vmem>> -> memref<128x128xf32, #tpu.memory_space<vmem>>
    %dma_wait3A_156 = arith.constant 0 : i32
    %dma_wait3A_157 = tpu.memref_slice %arg5[%dma_wait3A_150, %dma_wait3A_156] : memref<16x128xi32, #tpu.memory_space<vmem>> -> memref<1x128xi32, #tpu.memory_space<vmem>>
    %dma_wait3A_158 = tpu.memref_squeeze %dma_wait3A_157 : memref<1x128xi32, #tpu.memory_space<vmem>> -> memref<128xi32, #tpu.memory_space<vmem>>
    %dma_wait3A_159 = arith.constant 0 : i32
    %dma_wait3A_160 = arith.constant 0 : i32
    %dma_wait3A_161 = tpu.memref_slice %arg2[%dma_wait3A_159, %dma_wait3A_160] : memref<1024x128xf32, #tpu.memory_space<hbm>> -> memref<1024x128xf32, #tpu.memory_space<hbm>>
    tpu.wait_indirect_dma semaphore(%arg7 : memref<!tpu.dma_semaphore, #tpu.memory_space<semaphore_mem>>) src(%dma_wait3A_161 : memref<1024x128xf32, #tpu.memory_space<hbm>>) dst(%dma_wait3A_155 : memref<128x128xf32, #tpu.memory_space<vmem>>)
    %dma_wait3A_162 = arith.constant 5 : i32
    %dma_wait3A_163 = arith.constant 1 : i32
    %dma_wait3A_164 = arith.constant 0 : i32
    %dma_wait3A_165 = arith.constant 0 : i32
    %dma_wait3A_166 = tpu.memref_slice %arg6[%dma_wait3A_163, %dma_wait3A_164, %dma_wait3A_165] : memref<4x128x128xf32, #tpu.memory_space<vmem>> -> memref<1x128x128xf32, #tpu.memory_space<vmem>>
    %dma_wait3A_167 = tpu.memref_squeeze %dma_wait3A_166 : memref<1x128x128xf32, #tpu.memory_space<vmem>> -> memref<128x128xf32, #tpu.memory_space<vmem>>
    %dma_wait3A_168 = arith.constant 0 : i32
    %dma_wait3A_169 = tpu.memref_slice %arg5[%dma_wait3A_162, %dma_wait3A_168] : memref<16x128xi32, #tpu.memory_space<vmem>> -> memref<1x128xi32, #tpu.memory_space<vmem>>
    %dma_wait3A_170 = tpu.memref_squeeze %dma_wait3A_169 : memref<1x128xi32, #tpu.memory_space<vmem>> -> memref<128xi32, #tpu.memory_space<vmem>>
    %dma_wait3A_171 = arith.constant 0 : i32
    %dma_wait3A_172 = arith.constant 0 : i32
    %dma_wait3A_173 = tpu.memref_slice %arg2[%dma_wait3A_171, %dma_wait3A_172] : memref<1024x128xf32, #tpu.memory_space<hbm>> -> memref<1024x128xf32, #tpu.memory_space<hbm>>
    tpu.wait_indirect_dma semaphore(%arg7 : memref<!tpu.dma_semaphore, #tpu.memory_space<semaphore_mem>>) src(%dma_wait3A_173 : memref<1024x128xf32, #tpu.memory_space<hbm>>) dst(%dma_wait3A_167 : memref<128x128xf32, #tpu.memory_space<vmem>>)
    %dma_wait3A_174 = arith.constant 6 : i32
    %dma_wait3A_175 = arith.constant 2 : i32
    %dma_wait3A_176 = arith.constant 0 : i32
    %dma_wait3A_177 = arith.constant 0 : i32
    %dma_wait3A_178 = tpu.memref_slice %arg6[%dma_wait3A_175, %dma_wait3A_176, %dma_wait3A_177] : memref<4x128x128xf32, #tpu.memory_space<vmem>> -> memref<1x128x128xf32, #tpu.memory_space<vmem>>
    %dma_wait3A_179 = tpu.memref_squeeze %dma_wait3A_178 : memref<1x128x128xf32, #tpu.memory_space<vmem>> -> memref<128x128xf32, #tpu.memory_space<vmem>>
    %dma_wait3A_180 = arith.constant 0 : i32
    %dma_wait3A_181 = tpu.memref_slice %arg5[%dma_wait3A_174, %dma_wait3A_180] : memref<16x128xi32, #tpu.memory_space<vmem>> -> memref<1x128xi32, #tpu.memory_space<vmem>>
    %dma_wait3A_182 = tpu.memref_squeeze %dma_wait3A_181 : memref<1x128xi32, #tpu.memory_space<vmem>> -> memref<128xi32, #tpu.memory_space<vmem>>
    %dma_wait3A_183 = arith.constant 0 : i32
    %dma_wait3A_184 = arith.constant 0 : i32
    %dma_wait3A_185 = tpu.memref_slice %arg2[%dma_wait3A_183, %dma_wait3A_184] : memref<1024x128xf32, #tpu.memory_space<hbm>> -> memref<1024x128xf32, #tpu.memory_space<hbm>>
    tpu.wait_indirect_dma semaphore(%arg7 : memref<!tpu.dma_semaphore, #tpu.memory_space<semaphore_mem>>) src(%dma_wait3A_185 : memref<1024x128xf32, #tpu.memory_space<hbm>>) dst(%dma_wait3A_179 : memref<128x128xf32, #tpu.memory_space<vmem>>)
    %dma_wait3A_186 = arith.constant 7 : i32
    %dma_wait3A_187 = arith.constant 3 : i32
    %dma_wait3A_188 = arith.constant 0 : i32
    %dma_wait3A_189 = arith.constant 0 : i32
    %dma_wait3A_190 = tpu.memref_slice %arg6[%dma_wait3A_187, %dma_wait3A_188, %dma_wait3A_189] : memref<4x128x128xf32, #tpu.memory_space<vmem>> -> memref<1x128x128xf32, #tpu.memory_space<vmem>>
    %dma_wait3A_191 = tpu.memref_squeeze %dma_wait3A_190 : memref<1x128x128xf32, #tpu.memory_space<vmem>> -> memref<128x128xf32, #tpu.memory_space<vmem>>
    %dma_wait3A_192 = arith.constant 0 : i32
    %dma_wait3A_193 = tpu.memref_slice %arg5[%dma_wait3A_186, %dma_wait3A_192] : memref<16x128xi32, #tpu.memory_space<vmem>> -> memref<1x128xi32, #tpu.memory_space<vmem>>
    %dma_wait3A_194 = tpu.memref_squeeze %dma_wait3A_193 : memref<1x128xi32, #tpu.memory_space<vmem>> -> memref<128xi32, #tpu.memory_space<vmem>>
    %dma_wait3A_195 = arith.constant 0 : i32
    %dma_wait3A_196 = arith.constant 0 : i32
    %dma_wait3A_197 = tpu.memref_slice %arg2[%dma_wait3A_195, %dma_wait3A_196] : memref<1024x128xf32, #tpu.memory_space<hbm>> -> memref<1024x128xf32, #tpu.memory_space<hbm>>
    tpu.wait_indirect_dma semaphore(%arg7 : memref<!tpu.dma_semaphore, #tpu.memory_space<semaphore_mem>>) src(%dma_wait3A_197 : memref<1024x128xf32, #tpu.memory_space<hbm>>) dst(%dma_wait3A_191 : memref<128x128xf32, #tpu.memory_space<vmem>>)
    %run_scoped3A_198 = arith.constant 0 : i32
    %run_scoped3A_199 = arith.constant 4 : i32
    "tpu.region"() ({
      %run_scoped3A_414 = tpu.sem_alloc : memref<!tpu.dma_semaphore, #tpu.memory_space<semaphore_mem>>
      %dma_start3A_415 = arith.constant 0 : i32
      %dma_start3A_416 = arith.constant 0 : i32
      %dma_start3A_417 = tpu.memref_slice %arg6[%run_scoped3A_198, %dma_start3A_415, %dma_start3A_416] : memref<4x128x128xf32, #tpu.memory_space<vmem>> -> memref<1x128x128xf32, #tpu.memory_space<vmem>>
      %dma_start3A_418 = tpu.memref_squeeze %dma_start3A_417 : memref<1x128x128xf32, #tpu.memory_space<vmem>> -> memref<128x128xf32, #tpu.memory_space<vmem>>
      %dma_start3A_419 = arith.constant 0 : i32
      %dma_start3A_420 = arith.constant 0 : i32
      %dma_start3A_421 = tpu.memref_slice %arg4[%add3A, %run_scoped3A_199, %dma_start3A_419, %dma_start3A_420] : memref<32x16x128x128xf32, #tpu.memory_space<hbm>> -> memref<1x1x128x128xf32, #tpu.memory_space<hbm>>
      %dma_start3A_422 = tpu.memref_squeeze %dma_start3A_421 : memref<1x1x128x128xf32, #tpu.memory_space<hbm>> -> memref<128x128xf32, #tpu.memory_space<hbm>>
      %dma_start3A_423 = arith.constant 0 : i32
      %dma_start3A_424 = arith.constant 0 : i32
      %dma_start3A_425 = tpu.memref_slice %arg4[%add3A, %run_scoped3A_199, %dma_start3A_423, %dma_start3A_424] : memref<32x16x128x128xf32, #tpu.memory_space<hbm>> -> memref<1x1x128x128xf32, #tpu.memory_space<hbm>>
      %dma_start3A_426 = tpu.memref_squeeze %dma_start3A_425 : memref<1x1x128x128xf32, #tpu.memory_space<hbm>> -> memref<128x128xf32, #tpu.memory_space<hbm>>
      %dma_start3A_427 = arith.constant 0 : i32
      %dma_start3A_428 = arith.constant 0 : i32
      %dma_start3A_429 = tpu.memref_slice %arg6[%run_scoped3A_198, %dma_start3A_427, %dma_start3A_428] : memref<4x128x128xf32, #tpu.memory_space<vmem>> -> memref<1x128x128xf32, #tpu.memory_space<vmem>>
      %dma_start3A_430 = tpu.memref_squeeze %dma_start3A_429 : memref<1x128x128xf32, #tpu.memory_space<vmem>> -> memref<128x128xf32, #tpu.memory_space<vmem>>
      tpu.enqueue_dma source(%dma_start3A_430 : memref<128x128xf32, #tpu.memory_space<vmem>>) target(%dma_start3A_426 : memref<128x128xf32, #tpu.memory_space<hbm>>) target_semaphore(%run_scoped3A_414 : memref<!tpu.dma_semaphore, #tpu.memory_space<semaphore_mem>>)
      %dma_wait3A_431 = arith.constant 0 : i32
      %dma_wait3A_432 = arith.constant 0 : i32
      %dma_wait3A_433 = tpu.memref_slice %arg6[%run_scoped3A_198, %dma_wait3A_431, %dma_wait3A_432] : memref<4x128x128xf32, #tpu.memory_space<vmem>> -> memref<1x128x128xf32, #tpu.memory_space<vmem>>
      %dma_wait3A_434 = tpu.memref_squeeze %dma_wait3A_433 : memref<1x128x128xf32, #tpu.memory_space<vmem>> -> memref<128x128xf32, #tpu.memory_space<vmem>>
      %dma_wait3A_435 = arith.constant 0 : i32
      %dma_wait3A_436 = arith.constant 0 : i32
      %dma_wait3A_437 = tpu.memref_slice %arg4[%add3A, %run_scoped3A_199, %dma_wait3A_435, %dma_wait3A_436] : memref<32x16x128x128xf32, #tpu.memory_space<hbm>> -> memref<1x1x128x128xf32, #tpu.memory_space<hbm>>
      %dma_wait3A_438 = tpu.memref_squeeze %dma_wait3A_437 : memref<1x1x128x128xf32, #tpu.memory_space<hbm>> -> memref<128x128xf32, #tpu.memory_space<hbm>>
      %dma_wait3A_439 = arith.constant 0 : i32
      %dma_wait3A_440 = arith.constant 0 : i32
      %dma_wait3A_441 = tpu.memref_slice %arg4[%add3A, %run_scoped3A_199, %dma_wait3A_439, %dma_wait3A_440] : memref<32x16x128x128xf32, #tpu.memory_space<hbm>> -> memref<1x1x128x128xf32, #tpu.memory_space<hbm>>
      %dma_wait3A_442 = tpu.memref_squeeze %dma_wait3A_441 : memref<1x1x128x128xf32, #tpu.memory_space<hbm>> -> memref<128x128xf32, #tpu.memory_space<hbm>>
      %dma_wait3A_443 = arith.constant 0 : i32
      %dma_wait3A_444 = arith.constant 0 : i32
      %dma_wait3A_445 = tpu.memref_slice %arg6[%run_scoped3A_198, %dma_wait3A_443, %dma_wait3A_444] : memref<4x128x128xf32, #tpu.memory_space<vmem>> -> memref<1x128x128xf32, #tpu.memory_space<vmem>>
      %dma_wait3A_446 = tpu.memref_squeeze %dma_wait3A_445 : memref<1x128x128xf32, #tpu.memory_space<vmem>> -> memref<128x128xf32, #tpu.memory_space<vmem>>
      tpu.wait_dma2 semaphore(%run_scoped3A_414 : memref<!tpu.dma_semaphore, #tpu.memory_space<semaphore_mem>>) src(%dma_wait3A_446 : memref<128x128xf32, #tpu.memory_space<vmem>>) dst(%dma_wait3A_442 : memref<128x128xf32, #tpu.memory_space<hbm>>)
      tpu.yield
    }) : () -> ()
    %run_scoped3A_200 = arith.constant 1 : i32
    %run_scoped3A_201 = arith.constant 5 : i32
    "tpu.region"() ({
      %run_scoped3A_414 = tpu.sem_alloc : memref<!tpu.dma_semaphore, #tpu.memory_space<semaphore_mem>>
      %dma_start3A_415 = arith.constant 0 : i32
      %dma_start3A_416 = arith.constant 0 : i32
      %dma_start3A_417 = tpu.memref_slice %arg6[%run_scoped3A_200, %dma_start3A_415, %dma_start3A_416] : memref<4x128x128xf32, #tpu.memory_space<vmem>> -> memref<1x128x128xf32, #tpu.memory_space<vmem>>
      %dma_start3A_418 = tpu.memref_squeeze %dma_start3A_417 : memref<1x128x128xf32, #tpu.memory_space<vmem>> -> memref<128x128xf32, #tpu.memory_space<vmem>>
      %dma_start3A_419 = arith.constant 0 : i32
      %dma_start3A_420 = arith.constant 0 : i32
      %dma_start3A_421 = tpu.memref_slice %arg4[%add3A, %run_scoped3A_201, %dma_start3A_419, %dma_start3A_420] : memref<32x16x128x128xf32, #tpu.memory_space<hbm>> -> memref<1x1x128x128xf32, #tpu.memory_space<hbm>>
      %dma_start3A_422 = tpu.memref_squeeze %dma_start3A_421 : memref<1x1x128x128xf32, #tpu.memory_space<hbm>> -> memref<128x128xf32, #tpu.memory_space<hbm>>
      %dma_start3A_423 = arith.constant 0 : i32
      %dma_start3A_424 = arith.constant 0 : i32
      %dma_start3A_425 = tpu.memref_slice %arg4[%add3A, %run_scoped3A_201, %dma_start3A_423, %dma_start3A_424] : memref<32x16x128x128xf32, #tpu.memory_space<hbm>> -> memref<1x1x128x128xf32, #tpu.memory_space<hbm>>
      %dma_start3A_426 = tpu.memref_squeeze %dma_start3A_425 : memref<1x1x128x128xf32, #tpu.memory_space<hbm>> -> memref<128x128xf32, #tpu.memory_space<hbm>>
      %dma_start3A_427 = arith.constant 0 : i32
      %dma_start3A_428 = arith.constant 0 : i32
      %dma_start3A_429 = tpu.memref_slice %arg6[%run_scoped3A_200, %dma_start3A_427, %dma_start3A_428] : memref<4x128x128xf32, #tpu.memory_space<vmem>> -> memref<1x128x128xf32, #tpu.memory_space<vmem>>
      %dma_start3A_430 = tpu.memref_squeeze %dma_start3A_429 : memref<1x128x128xf32, #tpu.memory_space<vmem>> -> memref<128x128xf32, #tpu.memory_space<vmem>>
      tpu.enqueue_dma source(%dma_start3A_430 : memref<128x128xf32, #tpu.memory_space<vmem>>) target(%dma_start3A_426 : memref<128x128xf32, #tpu.memory_space<hbm>>) target_semaphore(%run_scoped3A_414 : memref<!tpu.dma_semaphore, #tpu.memory_space<semaphore_mem>>)
      %dma_wait3A_431 = arith.constant 0 : i32
      %dma_wait3A_432 = arith.constant 0 : i32
      %dma_wait3A_433 = tpu.memref_slice %arg6[%run_scoped3A_200, %dma_wait3A_431, %dma_wait3A_432] : memref<4x128x128xf32, #tpu.memory_space<vmem>> -> memref<1x128x128xf32, #tpu.memory_space<vmem>>
      %dma_wait3A_434 = tpu.memref_squeeze %dma_wait3A_433 : memref<1x128x128xf32, #tpu.memory_space<vmem>> -> memref<128x128xf32, #tpu.memory_space<vmem>>
      %dma_wait3A_435 = arith.constant 0 : i32
      %dma_wait3A_436 = arith.constant 0 : i32
      %dma_wait3A_437 = tpu.memref_slice %arg4[%add3A, %run_scoped3A_201, %dma_wait3A_435, %dma_wait3A_436] : memref<32x16x128x128xf32, #tpu.memory_space<hbm>> -> memref<1x1x128x128xf32, #tpu.memory_space<hbm>>
      %dma_wait3A_438 = tpu.memref_squeeze %dma_wait3A_437 : memref<1x1x128x128xf32, #tpu.memory_space<hbm>> -> memref<128x128xf32, #tpu.memory_space<hbm>>
      %dma_wait3A_439 = arith.constant 0 : i32
      %dma_wait3A_440 = arith.constant 0 : i32
      %dma_wait3A_441 = tpu.memref_slice %arg4[%add3A, %run_scoped3A_201, %dma_wait3A_439, %dma_wait3A_440] : memref<32x16x128x128xf32, #tpu.memory_space<hbm>> -> memref<1x1x128x128xf32, #tpu.memory_space<hbm>>
      %dma_wait3A_442 = tpu.memref_squeeze %dma_wait3A_441 : memref<1x1x128x128xf32, #tpu.memory_space<hbm>> -> memref<128x128xf32, #tpu.memory_space<hbm>>
      %dma_wait3A_443 = arith.constant 0 : i32
      %dma_wait3A_444 = arith.constant 0 : i32
      %dma_wait3A_445 = tpu.memref_slice %arg6[%run_scoped3A_200, %dma_wait3A_443, %dma_wait3A_444] : memref<4x128x128xf32, #tpu.memory_space<vmem>> -> memref<1x128x128xf32, #tpu.memory_space<vmem>>
      %dma_wait3A_446 = tpu.memref_squeeze %dma_wait3A_445 : memref<1x128x128xf32, #tpu.memory_space<vmem>> -> memref<128x128xf32, #tpu.memory_space<vmem>>
      tpu.wait_dma2 semaphore(%run_scoped3A_414 : memref<!tpu.dma_semaphore, #tpu.memory_space<semaphore_mem>>) src(%dma_wait3A_446 : memref<128x128xf32, #tpu.memory_space<vmem>>) dst(%dma_wait3A_442 : memref<128x128xf32, #tpu.memory_space<hbm>>)
      tpu.yield
    }) : () -> ()
    %run_scoped3A_202 = arith.constant 2 : i32
    %run_scoped3A_203 = arith.constant 6 : i32
    "tpu.region"() ({
      %run_scoped3A_414 = tpu.sem_alloc : memref<!tpu.dma_semaphore, #tpu.memory_space<semaphore_mem>>
      %dma_start3A_415 = arith.constant 0 : i32
      %dma_start3A_416 = arith.constant 0 : i32
      %dma_start3A_417 = tpu.memref_slice %arg6[%run_scoped3A_202, %dma_start3A_415, %dma_start3A_416] : memref<4x128x128xf32, #tpu.memory_space<vmem>> -> memref<1x128x128xf32, #tpu.memory_space<vmem>>
      %dma_start3A_418 = tpu.memref_squeeze %dma_start3A_417 : memref<1x128x128xf32, #tpu.memory_space<vmem>> -> memref<128x128xf32, #tpu.memory_space<vmem>>
      %dma_start3A_419 = arith.constant 0 : i32
      %dma_start3A_420 = arith.constant 0 : i32
      %dma_start3A_421 = tpu.memref_slice %arg4[%add3A, %run_scoped3A_203, %dma_start3A_419, %dma_start3A_420] : memref<32x16x128x128xf32, #tpu.memory_space<hbm>> -> memref<1x1x128x128xf32, #tpu.memory_space<hbm>>
      %dma_start3A_422 = tpu.memref_squeeze %dma_start3A_421 : memref<1x1x128x128xf32, #tpu.memory_space<hbm>> -> memref<128x128xf32, #tpu.memory_space<hbm>>
      %dma_start3A_423 = arith.constant 0 : i32
      %dma_start3A_424 = arith.constant 0 : i32
      %dma_start3A_425 = tpu.memref_slice %arg4[%add3A, %run_scoped3A_203, %dma_start3A_423, %dma_start3A_424] : memref<32x16x128x128xf32, #tpu.memory_space<hbm>> -> memref<1x1x128x128xf32, #tpu.memory_space<hbm>>
      %dma_start3A_426 = tpu.memref_squeeze %dma_start3A_425 : memref<1x1x128x128xf32, #tpu.memory_space<hbm>> -> memref<128x128xf32, #tpu.memory_space<hbm>>
      %dma_start3A_427 = arith.constant 0 : i32
      %dma_start3A_428 = arith.constant 0 : i32
      %dma_start3A_429 = tpu.memref_slice %arg6[%run_scoped3A_202, %dma_start3A_427, %dma_start3A_428] : memref<4x128x128xf32, #tpu.memory_space<vmem>> -> memref<1x128x128xf32, #tpu.memory_space<vmem>>
      %dma_start3A_430 = tpu.memref_squeeze %dma_start3A_429 : memref<1x128x128xf32, #tpu.memory_space<vmem>> -> memref<128x128xf32, #tpu.memory_space<vmem>>
      tpu.enqueue_dma source(%dma_start3A_430 : memref<128x128xf32, #tpu.memory_space<vmem>>) target(%dma_start3A_426 : memref<128x128xf32, #tpu.memory_space<hbm>>) target_semaphore(%run_scoped3A_414 : memref<!tpu.dma_semaphore, #tpu.memory_space<semaphore_mem>>)
      %dma_wait3A_431 = arith.constant 0 : i32
      %dma_wait3A_432 = arith.constant 0 : i32
      %dma_wait3A_433 = tpu.memref_slice %arg6[%run_scoped3A_202, %dma_wait3A_431, %dma_wait3A_432] : memref<4x128x128xf32, #tpu.memory_space<vmem>> -> memref<1x128x128xf32, #tpu.memory_space<vmem>>
      %dma_wait3A_434 = tpu.memref_squeeze %dma_wait3A_433 : memref<1x128x128xf32, #tpu.memory_space<vmem>> -> memref<128x128xf32, #tpu.memory_space<vmem>>
      %dma_wait3A_435 = arith.constant 0 : i32
      %dma_wait3A_436 = arith.constant 0 : i32
      %dma_wait3A_437 = tpu.memref_slice %arg4[%add3A, %run_scoped3A_203, %dma_wait3A_435, %dma_wait3A_436] : memref<32x16x128x128xf32, #tpu.memory_space<hbm>> -> memref<1x1x128x128xf32, #tpu.memory_space<hbm>>
      %dma_wait3A_438 = tpu.memref_squeeze %dma_wait3A_437 : memref<1x1x128x128xf32, #tpu.memory_space<hbm>> -> memref<128x128xf32, #tpu.memory_space<hbm>>
      %dma_wait3A_439 = arith.constant 0 : i32
      %dma_wait3A_440 = arith.constant 0 : i32
      %dma_wait3A_441 = tpu.memref_slice %arg4[%add3A, %run_scoped3A_203, %dma_wait3A_439, %dma_wait3A_440] : memref<32x16x128x128xf32, #tpu.memory_space<hbm>> -> memref<1x1x128x128xf32, #tpu.memory_space<hbm>>
      %dma_wait3A_442 = tpu.memref_squeeze %dma_wait3A_441 : memref<1x1x128x128xf32, #tpu.memory_space<hbm>> -> memref<128x128xf32, #tpu.memory_space<hbm>>
      %dma_wait3A_443 = arith.constant 0 : i32
      %dma_wait3A_444 = arith.constant 0 : i32
      %dma_wait3A_445 = tpu.memref_slice %arg6[%run_scoped3A_202, %dma_wait3A_443, %dma_wait3A_444] : memref<4x128x128xf32, #tpu.memory_space<vmem>> -> memref<1x128x128xf32, #tpu.memory_space<vmem>>
      %dma_wait3A_446 = tpu.memref_squeeze %dma_wait3A_445 : memref<1x128x128xf32, #tpu.memory_space<vmem>> -> memref<128x128xf32, #tpu.memory_space<vmem>>
      tpu.wait_dma2 semaphore(%run_scoped3A_414 : memref<!tpu.dma_semaphore, #tpu.memory_space<semaphore_mem>>) src(%dma_wait3A_446 : memref<128x128xf32, #tpu.memory_space<vmem>>) dst(%dma_wait3A_442 : memref<128x128xf32, #tpu.memory_space<hbm>>)
      tpu.yield
    }) : () -> ()
    %run_scoped3A_204 = arith.constant 3 : i32
    %run_scoped3A_205 = arith.constant 7 : i32
    "tpu.region"() ({
      %run_scoped3A_414 = tpu.sem_alloc : memref<!tpu.dma_semaphore, #tpu.memory_space<semaphore_mem>>
      %dma_start3A_415 = arith.constant 0 : i32
      %dma_start3A_416 = arith.constant 0 : i32
      %dma_start3A_417 = tpu.memref_slice %arg6[%run_scoped3A_204, %dma_start3A_415, %dma_start3A_416] : memref<4x128x128xf32, #tpu.memory_space<vmem>> -> memref<1x128x128xf32, #tpu.memory_space<vmem>>
      %dma_start3A_418 = tpu.memref_squeeze %dma_start3A_417 : memref<1x128x128xf32, #tpu.memory_space<vmem>> -> memref<128x128xf32, #tpu.memory_space<vmem>>
      %dma_start3A_419 = arith.constant 0 : i32
      %dma_start3A_420 = arith.constant 0 : i32
      %dma_start3A_421 = tpu.memref_slice %arg4[%add3A, %run_scoped3A_205, %dma_start3A_419, %dma_start3A_420] : memref<32x16x128x128xf32, #tpu.memory_space<hbm>> -> memref<1x1x128x128xf32, #tpu.memory_space<hbm>>
      %dma_start3A_422 = tpu.memref_squeeze %dma_start3A_421 : memref<1x1x128x128xf32, #tpu.memory_space<hbm>> -> memref<128x128xf32, #tpu.memory_space<hbm>>
      %dma_start3A_423 = arith.constant 0 : i32
      %dma_start3A_424 = arith.constant 0 : i32
      %dma_start3A_425 = tpu.memref_slice %arg4[%add3A, %run_scoped3A_205, %dma_start3A_423, %dma_start3A_424] : memref<32x16x128x128xf32, #tpu.memory_space<hbm>> -> memref<1x1x128x128xf32, #tpu.memory_space<hbm>>
      %dma_start3A_426 = tpu.memref_squeeze %dma_start3A_425 : memref<1x1x128x128xf32, #tpu.memory_space<hbm>> -> memref<128x128xf32, #tpu.memory_space<hbm>>
      %dma_start3A_427 = arith.constant 0 : i32
      %dma_start3A_428 = arith.constant 0 : i32
      %dma_start3A_429 = tpu.memref_slice %arg6[%run_scoped3A_204, %dma_start3A_427, %dma_start3A_428] : memref<4x128x128xf32, #tpu.memory_space<vmem>> -> memref<1x128x128xf32, #tpu.memory_space<vmem>>
      %dma_start3A_430 = tpu.memref_squeeze %dma_start3A_429 : memref<1x128x128xf32, #tpu.memory_space<vmem>> -> memref<128x128xf32, #tpu.memory_space<vmem>>
      tpu.enqueue_dma source(%dma_start3A_430 : memref<128x128xf32, #tpu.memory_space<vmem>>) target(%dma_start3A_426 : memref<128x128xf32, #tpu.memory_space<hbm>>) target_semaphore(%run_scoped3A_414 : memref<!tpu.dma_semaphore, #tpu.memory_space<semaphore_mem>>)
      %dma_wait3A_431 = arith.constant 0 : i32
      %dma_wait3A_432 = arith.constant 0 : i32
      %dma_wait3A_433 = tpu.memref_slice %arg6[%run_scoped3A_204, %dma_wait3A_431, %dma_wait3A_432] : memref<4x128x128xf32, #tpu.memory_space<vmem>> -> memref<1x128x128xf32, #tpu.memory_space<vmem>>
      %dma_wait3A_434 = tpu.memref_squeeze %dma_wait3A_433 : memref<1x128x128xf32, #tpu.memory_space<vmem>> -> memref<128x128xf32, #tpu.memory_space<vmem>>
      %dma_wait3A_435 = arith.constant 0 : i32
      %dma_wait3A_436 = arith.constant 0 : i32
      %dma_wait3A_437 = tpu.memref_slice %arg4[%add3A, %run_scoped3A_205, %dma_wait3A_435, %dma_wait3A_436] : memref<32x16x128x128xf32, #tpu.memory_space<hbm>> -> memref<1x1x128x128xf32, #tpu.memory_space<hbm>>
      %dma_wait3A_438 = tpu.memref_squeeze %dma_wait3A_437 : memref<1x1x128x128xf32, #tpu.memory_space<hbm>> -> memref<128x128xf32, #tpu.memory_space<hbm>>
      %dma_wait3A_439 = arith.constant 0 : i32
      %dma_wait3A_440 = arith.constant 0 : i32
      %dma_wait3A_441 = tpu.memref_slice %arg4[%add3A, %run_scoped3A_205, %dma_wait3A_439, %dma_wait3A_440] : memref<32x16x128x128xf32, #tpu.memory_space<hbm>> -> memref<1x1x128x128xf32, #tpu.memory_space<hbm>>
      %dma_wait3A_442 = tpu.memref_squeeze %dma_wait3A_441 : memref<1x1x128x128xf32, #tpu.memory_space<hbm>> -> memref<128x128xf32, #tpu.memory_space<hbm>>
      %dma_wait3A_443 = arith.constant 0 : i32
      %dma_wait3A_444 = arith.constant 0 : i32
      %dma_wait3A_445 = tpu.memref_slice %arg6[%run_scoped3A_204, %dma_wait3A_443, %dma_wait3A_444] : memref<4x128x128xf32, #tpu.memory_space<vmem>> -> memref<1x128x128xf32, #tpu.memory_space<vmem>>
      %dma_wait3A_446 = tpu.memref_squeeze %dma_wait3A_445 : memref<1x128x128xf32, #tpu.memory_space<vmem>> -> memref<128x128xf32, #tpu.memory_space<vmem>>
      tpu.wait_dma2 semaphore(%run_scoped3A_414 : memref<!tpu.dma_semaphore, #tpu.memory_space<semaphore_mem>>) src(%dma_wait3A_446 : memref<128x128xf32, #tpu.memory_space<vmem>>) dst(%dma_wait3A_442 : memref<128x128xf32, #tpu.memory_space<hbm>>)
      tpu.yield
    }) : () -> ()
    %dma_start3A_206 = arith.constant 8 : i32
    %dma_start3A_207 = arith.constant 0 : i32
    %dma_start3A_208 = arith.constant 0 : i32
    %dma_start3A_209 = arith.constant 0 : i32
    %dma_start3A_210 = tpu.memref_slice %arg6[%dma_start3A_207, %dma_start3A_208, %dma_start3A_209] : memref<4x128x128xf32, #tpu.memory_space<vmem>> -> memref<1x128x128xf32, #tpu.memory_space<vmem>>
    %dma_start3A_211 = tpu.memref_squeeze %dma_start3A_210 : memref<1x128x128xf32, #tpu.memory_space<vmem>> -> memref<128x128xf32, #tpu.memory_space<vmem>>
    %dma_start3A_212 = arith.constant 0 : i32
    %dma_start3A_213 = tpu.memref_slice %arg5[%dma_start3A_206, %dma_start3A_212] : memref<16x128xi32, #tpu.memory_space<vmem>> -> memref<1x128xi32, #tpu.memory_space<vmem>>
    %dma_start3A_214 = tpu.memref_squeeze %dma_start3A_213 : memref<1x128xi32, #tpu.memory_space<vmem>> -> memref<128xi32, #tpu.memory_space<vmem>>
    %dma_start3A_215 = arith.constant 0 : i32
    %dma_start3A_216 = arith.constant 0 : i32
    %dma_start3A_217 = tpu.memref_slice %arg2[%dma_start3A_215, %dma_start3A_216] : memref<1024x128xf32, #tpu.memory_space<hbm>> -> memref<1024x128xf32, #tpu.memory_space<hbm>>
    tpu.enqueue_indirect_dma source(%dma_start3A_217 : memref<1024x128xf32, #tpu.memory_space<hbm>>) target(%dma_start3A_211 : memref<128x128xf32, #tpu.memory_space<vmem>>) offsets(%dma_start3A_214 : memref<128xi32, #tpu.memory_space<vmem>>) semaphore(%arg7 : memref<!tpu.dma_semaphore, #tpu.memory_space<semaphore_mem>>)
    %dma_start3A_218 = arith.constant 9 : i32
    %dma_start3A_219 = arith.constant 1 : i32
    %dma_start3A_220 = arith.constant 0 : i32
    %dma_start3A_221 = arith.constant 0 : i32
    %dma_start3A_222 = tpu.memref_slice %arg6[%dma_start3A_219, %dma_start3A_220, %dma_start3A_221] : memref<4x128x128xf32, #tpu.memory_space<vmem>> -> memref<1x128x128xf32, #tpu.memory_space<vmem>>
    %dma_start3A_223 = tpu.memref_squeeze %dma_start3A_222 : memref<1x128x128xf32, #tpu.memory_space<vmem>> -> memref<128x128xf32, #tpu.memory_space<vmem>>
    %dma_start3A_224 = arith.constant 0 : i32
    %dma_start3A_225 = tpu.memref_slice %arg5[%dma_start3A_218, %dma_start3A_224] : memref<16x128xi32, #tpu.memory_space<vmem>> -> memref<1x128xi32, #tpu.memory_space<vmem>>
    %dma_start3A_226 = tpu.memref_squeeze %dma_start3A_225 : memref<1x128xi32, #tpu.memory_space<vmem>> -> memref<128xi32, #tpu.memory_space<vmem>>
    %dma_start3A_227 = arith.constant 0 : i32
    %dma_start3A_228 = arith.constant 0 : i32
    %dma_start3A_229 = tpu.memref_slice %arg2[%dma_start3A_227, %dma_start3A_228] : memref<1024x128xf32, #tpu.memory_space<hbm>> -> memref<1024x128xf32, #tpu.memory_space<hbm>>
    tpu.enqueue_indirect_dma source(%dma_start3A_229 : memref<1024x128xf32, #tpu.memory_space<hbm>>) target(%dma_start3A_223 : memref<128x128xf32, #tpu.memory_space<vmem>>) offsets(%dma_start3A_226 : memref<128xi32, #tpu.memory_space<vmem>>) semaphore(%arg7 : memref<!tpu.dma_semaphore, #tpu.memory_space<semaphore_mem>>)
    %dma_start3A_230 = arith.constant 10 : i32
    %dma_start3A_231 = arith.constant 2 : i32
    %dma_start3A_232 = arith.constant 0 : i32
    %dma_start3A_233 = arith.constant 0 : i32
    %dma_start3A_234 = tpu.memref_slice %arg6[%dma_start3A_231, %dma_start3A_232, %dma_start3A_233] : memref<4x128x128xf32, #tpu.memory_space<vmem>> -> memref<1x128x128xf32, #tpu.memory_space<vmem>>
    %dma_start3A_235 = tpu.memref_squeeze %dma_start3A_234 : memref<1x128x128xf32, #tpu.memory_space<vmem>> -> memref<128x128xf32, #tpu.memory_space<vmem>>
    %dma_start3A_236 = arith.constant 0 : i32
    %dma_start3A_237 = tpu.memref_slice %arg5[%dma_start3A_230, %dma_start3A_236] : memref<16x128xi32, #tpu.memory_space<vmem>> -> memref<1x128xi32, #tpu.memory_space<vmem>>
    %dma_start3A_238 = tpu.memref_squeeze %dma_start3A_237 : memref<1x128xi32, #tpu.memory_space<vmem>> -> memref<128xi32, #tpu.memory_space<vmem>>
    %dma_start3A_239 = arith.constant 0 : i32
    %dma_start3A_240 = arith.constant 0 : i32
    %dma_start3A_241 = tpu.memref_slice %arg2[%dma_start3A_239, %dma_start3A_240] : memref<1024x128xf32, #tpu.memory_space<hbm>> -> memref<1024x128xf32, #tpu.memory_space<hbm>>
    tpu.enqueue_indirect_dma source(%dma_start3A_241 : memref<1024x128xf32, #tpu.memory_space<hbm>>) target(%dma_start3A_235 : memref<128x128xf32, #tpu.memory_space<vmem>>) offsets(%dma_start3A_238 : memref<128xi32, #tpu.memory_space<vmem>>) semaphore(%arg7 : memref<!tpu.dma_semaphore, #tpu.memory_space<semaphore_mem>>)
    %dma_start3A_242 = arith.constant 11 : i32
    %dma_start3A_243 = arith.constant 3 : i32
    %dma_start3A_244 = arith.constant 0 : i32
    %dma_start3A_245 = arith.constant 0 : i32
    %dma_start3A_246 = tpu.memref_slice %arg6[%dma_start3A_243, %dma_start3A_244, %dma_start3A_245] : memref<4x128x128xf32, #tpu.memory_space<vmem>> -> memref<1x128x128xf32, #tpu.memory_space<vmem>>
    %dma_start3A_247 = tpu.memref_squeeze %dma_start3A_246 : memref<1x128x128xf32, #tpu.memory_space<vmem>> -> memref<128x128xf32, #tpu.memory_space<vmem>>
    %dma_start3A_248 = arith.constant 0 : i32
    %dma_start3A_249 = tpu.memref_slice %arg5[%dma_start3A_242, %dma_start3A_248] : memref<16x128xi32, #tpu.memory_space<vmem>> -> memref<1x128xi32, #tpu.memory_space<vmem>>
    %dma_start3A_250 = tpu.memref_squeeze %dma_start3A_249 : memref<1x128xi32, #tpu.memory_space<vmem>> -> memref<128xi32, #tpu.memory_space<vmem>>
    %dma_start3A_251 = arith.constant 0 : i32
    %dma_start3A_252 = arith.constant 0 : i32
    %dma_start3A_253 = tpu.memref_slice %arg2[%dma_start3A_251, %dma_start3A_252] : memref<1024x128xf32, #tpu.memory_space<hbm>> -> memref<1024x128xf32, #tpu.memory_space<hbm>>
    tpu.enqueue_indirect_dma source(%dma_start3A_253 : memref<1024x128xf32, #tpu.memory_space<hbm>>) target(%dma_start3A_247 : memref<128x128xf32, #tpu.memory_space<vmem>>) offsets(%dma_start3A_250 : memref<128xi32, #tpu.memory_space<vmem>>) semaphore(%arg7 : memref<!tpu.dma_semaphore, #tpu.memory_space<semaphore_mem>>)
    %dma_wait3A_254 = arith.constant 8 : i32
    %dma_wait3A_255 = arith.constant 0 : i32
    %dma_wait3A_256 = arith.constant 0 : i32
    %dma_wait3A_257 = arith.constant 0 : i32
    %dma_wait3A_258 = tpu.memref_slice %arg6[%dma_wait3A_255, %dma_wait3A_256, %dma_wait3A_257] : memref<4x128x128xf32, #tpu.memory_space<vmem>> -> memref<1x128x128xf32, #tpu.memory_space<vmem>>
    %dma_wait3A_259 = tpu.memref_squeeze %dma_wait3A_258 : memref<1x128x128xf32, #tpu.memory_space<vmem>> -> memref<128x128xf32, #tpu.memory_space<vmem>>
    %dma_wait3A_260 = arith.constant 0 : i32
    %dma_wait3A_261 = tpu.memref_slice %arg5[%dma_wait3A_254, %dma_wait3A_260] : memref<16x128xi32, #tpu.memory_space<vmem>> -> memref<1x128xi32, #tpu.memory_space<vmem>>
    %dma_wait3A_262 = tpu.memref_squeeze %dma_wait3A_261 : memref<1x128xi32, #tpu.memory_space<vmem>> -> memref<128xi32, #tpu.memory_space<vmem>>
    %dma_wait3A_263 = arith.constant 0 : i32
    %dma_wait3A_264 = arith.constant 0 : i32
    %dma_wait3A_265 = tpu.memref_slice %arg2[%dma_wait3A_263, %dma_wait3A_264] : memref<1024x128xf32, #tpu.memory_space<hbm>> -> memref<1024x128xf32, #tpu.memory_space<hbm>>
    tpu.wait_indirect_dma semaphore(%arg7 : memref<!tpu.dma_semaphore, #tpu.memory_space<semaphore_mem>>) src(%dma_wait3A_265 : memref<1024x128xf32, #tpu.memory_space<hbm>>) dst(%dma_wait3A_259 : memref<128x128xf32, #tpu.memory_space<vmem>>)
    %dma_wait3A_266 = arith.constant 9 : i32
    %dma_wait3A_267 = arith.constant 1 : i32
    %dma_wait3A_268 = arith.constant 0 : i32
    %dma_wait3A_269 = arith.constant 0 : i32
    %dma_wait3A_270 = tpu.memref_slice %arg6[%dma_wait3A_267, %dma_wait3A_268, %dma_wait3A_269] : memref<4x128x128xf32, #tpu.memory_space<vmem>> -> memref<1x128x128xf32, #tpu.memory_space<vmem>>
    %dma_wait3A_271 = tpu.memref_squeeze %dma_wait3A_270 : memref<1x128x128xf32, #tpu.memory_space<vmem>> -> memref<128x128xf32, #tpu.memory_space<vmem>>
    %dma_wait3A_272 = arith.constant 0 : i32
    %dma_wait3A_273 = tpu.memref_slice %arg5[%dma_wait3A_266, %dma_wait3A_272] : memref<16x128xi32, #tpu.memory_space<vmem>> -> memref<1x128xi32, #tpu.memory_space<vmem>>
    %dma_wait3A_274 = tpu.memref_squeeze %dma_wait3A_273 : memref<1x128xi32, #tpu.memory_space<vmem>> -> memref<128xi32, #tpu.memory_space<vmem>>
    %dma_wait3A_275 = arith.constant 0 : i32
    %dma_wait3A_276 = arith.constant 0 : i32
    %dma_wait3A_277 = tpu.memref_slice %arg2[%dma_wait3A_275, %dma_wait3A_276] : memref<1024x128xf32, #tpu.memory_space<hbm>> -> memref<1024x128xf32, #tpu.memory_space<hbm>>
    tpu.wait_indirect_dma semaphore(%arg7 : memref<!tpu.dma_semaphore, #tpu.memory_space<semaphore_mem>>) src(%dma_wait3A_277 : memref<1024x128xf32, #tpu.memory_space<hbm>>) dst(%dma_wait3A_271 : memref<128x128xf32, #tpu.memory_space<vmem>>)
    %dma_wait3A_278 = arith.constant 10 : i32
    %dma_wait3A_279 = arith.constant 2 : i32
    %dma_wait3A_280 = arith.constant 0 : i32
    %dma_wait3A_281 = arith.constant 0 : i32
    %dma_wait3A_282 = tpu.memref_slice %arg6[%dma_wait3A_279, %dma_wait3A_280, %dma_wait3A_281] : memref<4x128x128xf32, #tpu.memory_space<vmem>> -> memref<1x128x128xf32, #tpu.memory_space<vmem>>
    %dma_wait3A_283 = tpu.memref_squeeze %dma_wait3A_282 : memref<1x128x128xf32, #tpu.memory_space<vmem>> -> memref<128x128xf32, #tpu.memory_space<vmem>>
    %dma_wait3A_284 = arith.constant 0 : i32
    %dma_wait3A_285 = tpu.memref_slice %arg5[%dma_wait3A_278, %dma_wait3A_284] : memref<16x128xi32, #tpu.memory_space<vmem>> -> memref<1x128xi32, #tpu.memory_space<vmem>>
    %dma_wait3A_286 = tpu.memref_squeeze %dma_wait3A_285 : memref<1x128xi32, #tpu.memory_space<vmem>> -> memref<128xi32, #tpu.memory_space<vmem>>
    %dma_wait3A_287 = arith.constant 0 : i32
    %dma_wait3A_288 = arith.constant 0 : i32
    %dma_wait3A_289 = tpu.memref_slice %arg2[%dma_wait3A_287, %dma_wait3A_288] : memref<1024x128xf32, #tpu.memory_space<hbm>> -> memref<1024x128xf32, #tpu.memory_space<hbm>>
    tpu.wait_indirect_dma semaphore(%arg7 : memref<!tpu.dma_semaphore, #tpu.memory_space<semaphore_mem>>) src(%dma_wait3A_289 : memref<1024x128xf32, #tpu.memory_space<hbm>>) dst(%dma_wait3A_283 : memref<128x128xf32, #tpu.memory_space<vmem>>)
    %dma_wait3A_290 = arith.constant 11 : i32
    %dma_wait3A_291 = arith.constant 3 : i32
    %dma_wait3A_292 = arith.constant 0 : i32
    %dma_wait3A_293 = arith.constant 0 : i32
    %dma_wait3A_294 = tpu.memref_slice %arg6[%dma_wait3A_291, %dma_wait3A_292, %dma_wait3A_293] : memref<4x128x128xf32, #tpu.memory_space<vmem>> -> memref<1x128x128xf32, #tpu.memory_space<vmem>>
    %dma_wait3A_295 = tpu.memref_squeeze %dma_wait3A_294 : memref<1x128x128xf32, #tpu.memory_space<vmem>> -> memref<128x128xf32, #tpu.memory_space<vmem>>
    %dma_wait3A_296 = arith.constant 0 : i32
    %dma_wait3A_297 = tpu.memref_slice %arg5[%dma_wait3A_290, %dma_wait3A_296] : memref<16x128xi32, #tpu.memory_space<vmem>> -> memref<1x128xi32, #tpu.memory_space<vmem>>
    %dma_wait3A_298 = tpu.memref_squeeze %dma_wait3A_297 : memref<1x128xi32, #tpu.memory_space<vmem>> -> memref<128xi32, #tpu.memory_space<vmem>>
    %dma_wait3A_299 = arith.constant 0 : i32
    %dma_wait3A_300 = arith.constant 0 : i32
    %dma_wait3A_301 = tpu.memref_slice %arg2[%dma_wait3A_299, %dma_wait3A_300] : memref<1024x128xf32, #tpu.memory_space<hbm>> -> memref<1024x128xf32, #tpu.memory_space<hbm>>
    tpu.wait_indirect_dma semaphore(%arg7 : memref<!tpu.dma_semaphore, #tpu.memory_space<semaphore_mem>>) src(%dma_wait3A_301 : memref<1024x128xf32, #tpu.memory_space<hbm>>) dst(%dma_wait3A_295 : memref<128x128xf32, #tpu.memory_space<vmem>>)
    %run_scoped3A_302 = arith.constant 0 : i32
    %run_scoped3A_303 = arith.constant 8 : i32
    "tpu.region"() ({
      %run_scoped3A_414 = tpu.sem_alloc : memref<!tpu.dma_semaphore, #tpu.memory_space<semaphore_mem>>
      %dma_start3A_415 = arith.constant 0 : i32
      %dma_start3A_416 = arith.constant 0 : i32
      %dma_start3A_417 = tpu.memref_slice %arg6[%run_scoped3A_302, %dma_start3A_415, %dma_start3A_416] : memref<4x128x128xf32, #tpu.memory_space<vmem>> -> memref<1x128x128xf32, #tpu.memory_space<vmem>>
      %dma_start3A_418 = tpu.memref_squeeze %dma_start3A_417 : memref<1x128x128xf32, #tpu.memory_space<vmem>> -> memref<128x128xf32, #tpu.memory_space<vmem>>
      %dma_start3A_419 = arith.constant 0 : i32
      %dma_start3A_420 = arith.constant 0 : i32
      %dma_start3A_421 = tpu.memref_slice %arg4[%add3A, %run_scoped3A_303, %dma_start3A_419, %dma_start3A_420] : memref<32x16x128x128xf32, #tpu.memory_space<hbm>> -> memref<1x1x128x128xf32, #tpu.memory_space<hbm>>
      %dma_start3A_422 = tpu.memref_squeeze %dma_start3A_421 : memref<1x1x128x128xf32, #tpu.memory_space<hbm>> -> memref<128x128xf32, #tpu.memory_space<hbm>>
      %dma_start3A_423 = arith.constant 0 : i32
      %dma_start3A_424 = arith.constant 0 : i32
      %dma_start3A_425 = tpu.memref_slice %arg4[%add3A, %run_scoped3A_303, %dma_start3A_423, %dma_start3A_424] : memref<32x16x128x128xf32, #tpu.memory_space<hbm>> -> memref<1x1x128x128xf32, #tpu.memory_space<hbm>>
      %dma_start3A_426 = tpu.memref_squeeze %dma_start3A_425 : memref<1x1x128x128xf32, #tpu.memory_space<hbm>> -> memref<128x128xf32, #tpu.memory_space<hbm>>
      %dma_start3A_427 = arith.constant 0 : i32
      %dma_start3A_428 = arith.constant 0 : i32
      %dma_start3A_429 = tpu.memref_slice %arg6[%run_scoped3A_302, %dma_start3A_427, %dma_start3A_428] : memref<4x128x128xf32, #tpu.memory_space<vmem>> -> memref<1x128x128xf32, #tpu.memory_space<vmem>>
      %dma_start3A_430 = tpu.memref_squeeze %dma_start3A_429 : memref<1x128x128xf32, #tpu.memory_space<vmem>> -> memref<128x128xf32, #tpu.memory_space<vmem>>
      tpu.enqueue_dma source(%dma_start3A_430 : memref<128x128xf32, #tpu.memory_space<vmem>>) target(%dma_start3A_426 : memref<128x128xf32, #tpu.memory_space<hbm>>) target_semaphore(%run_scoped3A_414 : memref<!tpu.dma_semaphore, #tpu.memory_space<semaphore_mem>>)
      %dma_wait3A_431 = arith.constant 0 : i32
      %dma_wait3A_432 = arith.constant 0 : i32
      %dma_wait3A_433 = tpu.memref_slice %arg6[%run_scoped3A_302, %dma_wait3A_431, %dma_wait3A_432] : memref<4x128x128xf32, #tpu.memory_space<vmem>> -> memref<1x128x128xf32, #tpu.memory_space<vmem>>
      %dma_wait3A_434 = tpu.memref_squeeze %dma_wait3A_433 : memref<1x128x128xf32, #tpu.memory_space<vmem>> -> memref<128x128xf32, #tpu.memory_space<vmem>>
      %dma_wait3A_435 = arith.constant 0 : i32
      %dma_wait3A_436 = arith.constant 0 : i32
      %dma_wait3A_437 = tpu.memref_slice %arg4[%add3A, %run_scoped3A_303, %dma_wait3A_435, %dma_wait3A_436] : memref<32x16x128x128xf32, #tpu.memory_space<hbm>> -> memref<1x1x128x128xf32, #tpu.memory_space<hbm>>
      %dma_wait3A_438 = tpu.memref_squeeze %dma_wait3A_437 : memref<1x1x128x128xf32, #tpu.memory_space<hbm>> -> memref<128x128xf32, #tpu.memory_space<hbm>>
      %dma_wait3A_439 = arith.constant 0 : i32
      %dma_wait3A_440 = arith.constant 0 : i32
      %dma_wait3A_441 = tpu.memref_slice %arg4[%add3A, %run_scoped3A_303, %dma_wait3A_439, %dma_wait3A_440] : memref<32x16x128x128xf32, #tpu.memory_space<hbm>> -> memref<1x1x128x128xf32, #tpu.memory_space<hbm>>
      %dma_wait3A_442 = tpu.memref_squeeze %dma_wait3A_441 : memref<1x1x128x128xf32, #tpu.memory_space<hbm>> -> memref<128x128xf32, #tpu.memory_space<hbm>>
      %dma_wait3A_443 = arith.constant 0 : i32
      %dma_wait3A_444 = arith.constant 0 : i32
      %dma_wait3A_445 = tpu.memref_slice %arg6[%run_scoped3A_302, %dma_wait3A_443, %dma_wait3A_444] : memref<4x128x128xf32, #tpu.memory_space<vmem>> -> memref<1x128x128xf32, #tpu.memory_space<vmem>>
      %dma_wait3A_446 = tpu.memref_squeeze %dma_wait3A_445 : memref<1x128x128xf32, #tpu.memory_space<vmem>> -> memref<128x128xf32, #tpu.memory_space<vmem>>
      tpu.wait_dma2 semaphore(%run_scoped3A_414 : memref<!tpu.dma_semaphore, #tpu.memory_space<semaphore_mem>>) src(%dma_wait3A_446 : memref<128x128xf32, #tpu.memory_space<vmem>>) dst(%dma_wait3A_442 : memref<128x128xf32, #tpu.memory_space<hbm>>)
      tpu.yield
    }) : () -> ()
    %run_scoped3A_304 = arith.constant 1 : i32
    %run_scoped3A_305 = arith.constant 9 : i32
    "tpu.region"() ({
      %run_scoped3A_414 = tpu.sem_alloc : memref<!tpu.dma_semaphore, #tpu.memory_space<semaphore_mem>>
      %dma_start3A_415 = arith.constant 0 : i32
      %dma_start3A_416 = arith.constant 0 : i32
      %dma_start3A_417 = tpu.memref_slice %arg6[%run_scoped3A_304, %dma_start3A_415, %dma_start3A_416] : memref<4x128x128xf32, #tpu.memory_space<vmem>> -> memref<1x128x128xf32, #tpu.memory_space<vmem>>
      %dma_start3A_418 = tpu.memref_squeeze %dma_start3A_417 : memref<1x128x128xf32, #tpu.memory_space<vmem>> -> memref<128x128xf32, #tpu.memory_space<vmem>>
      %dma_start3A_419 = arith.constant 0 : i32
      %dma_start3A_420 = arith.constant 0 : i32
      %dma_start3A_421 = tpu.memref_slice %arg4[%add3A, %run_scoped3A_305, %dma_start3A_419, %dma_start3A_420] : memref<32x16x128x128xf32, #tpu.memory_space<hbm>> -> memref<1x1x128x128xf32, #tpu.memory_space<hbm>>
      %dma_start3A_422 = tpu.memref_squeeze %dma_start3A_421 : memref<1x1x128x128xf32, #tpu.memory_space<hbm>> -> memref<128x128xf32, #tpu.memory_space<hbm>>
      %dma_start3A_423 = arith.constant 0 : i32
      %dma_start3A_424 = arith.constant 0 : i32
      %dma_start3A_425 = tpu.memref_slice %arg4[%add3A, %run_scoped3A_305, %dma_start3A_423, %dma_start3A_424] : memref<32x16x128x128xf32, #tpu.memory_space<hbm>> -> memref<1x1x128x128xf32, #tpu.memory_space<hbm>>
      %dma_start3A_426 = tpu.memref_squeeze %dma_start3A_425 : memref<1x1x128x128xf32, #tpu.memory_space<hbm>> -> memref<128x128xf32, #tpu.memory_space<hbm>>
      %dma_start3A_427 = arith.constant 0 : i32
      %dma_start3A_428 = arith.constant 0 : i32
      %dma_start3A_429 = tpu.memref_slice %arg6[%run_scoped3A_304, %dma_start3A_427, %dma_start3A_428] : memref<4x128x128xf32, #tpu.memory_space<vmem>> -> memref<1x128x128xf32, #tpu.memory_space<vmem>>
      %dma_start3A_430 = tpu.memref_squeeze %dma_start3A_429 : memref<1x128x128xf32, #tpu.memory_space<vmem>> -> memref<128x128xf32, #tpu.memory_space<vmem>>
      tpu.enqueue_dma source(%dma_start3A_430 : memref<128x128xf32, #tpu.memory_space<vmem>>) target(%dma_start3A_426 : memref<128x128xf32, #tpu.memory_space<hbm>>) target_semaphore(%run_scoped3A_414 : memref<!tpu.dma_semaphore, #tpu.memory_space<semaphore_mem>>)
      %dma_wait3A_431 = arith.constant 0 : i32
      %dma_wait3A_432 = arith.constant 0 : i32
      %dma_wait3A_433 = tpu.memref_slice %arg6[%run_scoped3A_304, %dma_wait3A_431, %dma_wait3A_432] : memref<4x128x128xf32, #tpu.memory_space<vmem>> -> memref<1x128x128xf32, #tpu.memory_space<vmem>>
      %dma_wait3A_434 = tpu.memref_squeeze %dma_wait3A_433 : memref<1x128x128xf32, #tpu.memory_space<vmem>> -> memref<128x128xf32, #tpu.memory_space<vmem>>
      %dma_wait3A_435 = arith.constant 0 : i32
      %dma_wait3A_436 = arith.constant 0 : i32
      %dma_wait3A_437 = tpu.memref_slice %arg4[%add3A, %run_scoped3A_305, %dma_wait3A_435, %dma_wait3A_436] : memref<32x16x128x128xf32, #tpu.memory_space<hbm>> -> memref<1x1x128x128xf32, #tpu.memory_space<hbm>>
      %dma_wait3A_438 = tpu.memref_squeeze %dma_wait3A_437 : memref<1x1x128x128xf32, #tpu.memory_space<hbm>> -> memref<128x128xf32, #tpu.memory_space<hbm>>
      %dma_wait3A_439 = arith.constant 0 : i32
      %dma_wait3A_440 = arith.constant 0 : i32
      %dma_wait3A_441 = tpu.memref_slice %arg4[%add3A, %run_scoped3A_305, %dma_wait3A_439, %dma_wait3A_440] : memref<32x16x128x128xf32, #tpu.memory_space<hbm>> -> memref<1x1x128x128xf32, #tpu.memory_space<hbm>>
      %dma_wait3A_442 = tpu.memref_squeeze %dma_wait3A_441 : memref<1x1x128x128xf32, #tpu.memory_space<hbm>> -> memref<128x128xf32, #tpu.memory_space<hbm>>
      %dma_wait3A_443 = arith.constant 0 : i32
      %dma_wait3A_444 = arith.constant 0 : i32
      %dma_wait3A_445 = tpu.memref_slice %arg6[%run_scoped3A_304, %dma_wait3A_443, %dma_wait3A_444] : memref<4x128x128xf32, #tpu.memory_space<vmem>> -> memref<1x128x128xf32, #tpu.memory_space<vmem>>
      %dma_wait3A_446 = tpu.memref_squeeze %dma_wait3A_445 : memref<1x128x128xf32, #tpu.memory_space<vmem>> -> memref<128x128xf32, #tpu.memory_space<vmem>>
      tpu.wait_dma2 semaphore(%run_scoped3A_414 : memref<!tpu.dma_semaphore, #tpu.memory_space<semaphore_mem>>) src(%dma_wait3A_446 : memref<128x128xf32, #tpu.memory_space<vmem>>) dst(%dma_wait3A_442 : memref<128x128xf32, #tpu.memory_space<hbm>>)
      tpu.yield
    }) : () -> ()
    %run_scoped3A_306 = arith.constant 2 : i32
    %run_scoped3A_307 = arith.constant 10 : i32
    "tpu.region"() ({
      %run_scoped3A_414 = tpu.sem_alloc : memref<!tpu.dma_semaphore, #tpu.memory_space<semaphore_mem>>
      %dma_start3A_415 = arith.constant 0 : i32
      %dma_start3A_416 = arith.constant 0 : i32
      %dma_start3A_417 = tpu.memref_slice %arg6[%run_scoped3A_306, %dma_start3A_415, %dma_start3A_416] : memref<4x128x128xf32, #tpu.memory_space<vmem>> -> memref<1x128x128xf32, #tpu.memory_space<vmem>>
      %dma_start3A_418 = tpu.memref_squeeze %dma_start3A_417 : memref<1x128x128xf32, #tpu.memory_space<vmem>> -> memref<128x128xf32, #tpu.memory_space<vmem>>
      %dma_start3A_419 = arith.constant 0 : i32
      %dma_start3A_420 = arith.constant 0 : i32
      %dma_start3A_421 = tpu.memref_slice %arg4[%add3A, %run_scoped3A_307, %dma_start3A_419, %dma_start3A_420] : memref<32x16x128x128xf32, #tpu.memory_space<hbm>> -> memref<1x1x128x128xf32, #tpu.memory_space<hbm>>
      %dma_start3A_422 = tpu.memref_squeeze %dma_start3A_421 : memref<1x1x128x128xf32, #tpu.memory_space<hbm>> -> memref<128x128xf32, #tpu.memory_space<hbm>>
      %dma_start3A_423 = arith.constant 0 : i32
      %dma_start3A_424 = arith.constant 0 : i32
      %dma_start3A_425 = tpu.memref_slice %arg4[%add3A, %run_scoped3A_307, %dma_start3A_423, %dma_start3A_424] : memref<32x16x128x128xf32, #tpu.memory_space<hbm>> -> memref<1x1x128x128xf32, #tpu.memory_space<hbm>>
      %dma_start3A_426 = tpu.memref_squeeze %dma_start3A_425 : memref<1x1x128x128xf32, #tpu.memory_space<hbm>> -> memref<128x128xf32, #tpu.memory_space<hbm>>
      %dma_start3A_427 = arith.constant 0 : i32
      %dma_start3A_428 = arith.constant 0 : i32
      %dma_start3A_429 = tpu.memref_slice %arg6[%run_scoped3A_306, %dma_start3A_427, %dma_start3A_428] : memref<4x128x128xf32, #tpu.memory_space<vmem>> -> memref<1x128x128xf32, #tpu.memory_space<vmem>>
      %dma_start3A_430 = tpu.memref_squeeze %dma_start3A_429 : memref<1x128x128xf32, #tpu.memory_space<vmem>> -> memref<128x128xf32, #tpu.memory_space<vmem>>
      tpu.enqueue_dma source(%dma_start3A_430 : memref<128x128xf32, #tpu.memory_space<vmem>>) target(%dma_start3A_426 : memref<128x128xf32, #tpu.memory_space<hbm>>) target_semaphore(%run_scoped3A_414 : memref<!tpu.dma_semaphore, #tpu.memory_space<semaphore_mem>>)
      %dma_wait3A_431 = arith.constant 0 : i32
      %dma_wait3A_432 = arith.constant 0 : i32
      %dma_wait3A_433 = tpu.memref_slice %arg6[%run_scoped3A_306, %dma_wait3A_431, %dma_wait3A_432] : memref<4x128x128xf32, #tpu.memory_space<vmem>> -> memref<1x128x128xf32, #tpu.memory_space<vmem>>
      %dma_wait3A_434 = tpu.memref_squeeze %dma_wait3A_433 : memref<1x128x128xf32, #tpu.memory_space<vmem>> -> memref<128x128xf32, #tpu.memory_space<vmem>>
      %dma_wait3A_435 = arith.constant 0 : i32
      %dma_wait3A_436 = arith.constant 0 : i32
      %dma_wait3A_437 = tpu.memref_slice %arg4[%add3A, %run_scoped3A_307, %dma_wait3A_435, %dma_wait3A_436] : memref<32x16x128x128xf32, #tpu.memory_space<hbm>> -> memref<1x1x128x128xf32, #tpu.memory_space<hbm>>
      %dma_wait3A_438 = tpu.memref_squeeze %dma_wait3A_437 : memref<1x1x128x128xf32, #tpu.memory_space<hbm>> -> memref<128x128xf32, #tpu.memory_space<hbm>>
      %dma_wait3A_439 = arith.constant 0 : i32
      %dma_wait3A_440 = arith.constant 0 : i32
      %dma_wait3A_441 = tpu.memref_slice %arg4[%add3A, %run_scoped3A_307, %dma_wait3A_439, %dma_wait3A_440] : memref<32x16x128x128xf32, #tpu.memory_space<hbm>> -> memref<1x1x128x128xf32, #tpu.memory_space<hbm>>
      %dma_wait3A_442 = tpu.memref_squeeze %dma_wait3A_441 : memref<1x1x128x128xf32, #tpu.memory_space<hbm>> -> memref<128x128xf32, #tpu.memory_space<hbm>>
      %dma_wait3A_443 = arith.constant 0 : i32
      %dma_wait3A_444 = arith.constant 0 : i32
      %dma_wait3A_445 = tpu.memref_slice %arg6[%run_scoped3A_306, %dma_wait3A_443, %dma_wait3A_444] : memref<4x128x128xf32, #tpu.memory_space<vmem>> -> memref<1x128x128xf32, #tpu.memory_space<vmem>>
      %dma_wait3A_446 = tpu.memref_squeeze %dma_wait3A_445 : memref<1x128x128xf32, #tpu.memory_space<vmem>> -> memref<128x128xf32, #tpu.memory_space<vmem>>
      tpu.wait_dma2 semaphore(%run_scoped3A_414 : memref<!tpu.dma_semaphore, #tpu.memory_space<semaphore_mem>>) src(%dma_wait3A_446 : memref<128x128xf32, #tpu.memory_space<vmem>>) dst(%dma_wait3A_442 : memref<128x128xf32, #tpu.memory_space<hbm>>)
      tpu.yield
    }) : () -> ()
    %run_scoped3A_308 = arith.constant 3 : i32
    %run_scoped3A_309 = arith.constant 11 : i32
    "tpu.region"() ({
      %run_scoped3A_414 = tpu.sem_alloc : memref<!tpu.dma_semaphore, #tpu.memory_space<semaphore_mem>>
      %dma_start3A_415 = arith.constant 0 : i32
      %dma_start3A_416 = arith.constant 0 : i32
      %dma_start3A_417 = tpu.memref_slice %arg6[%run_scoped3A_308, %dma_start3A_415, %dma_start3A_416] : memref<4x128x128xf32, #tpu.memory_space<vmem>> -> memref<1x128x128xf32, #tpu.memory_space<vmem>>
      %dma_start3A_418 = tpu.memref_squeeze %dma_start3A_417 : memref<1x128x128xf32, #tpu.memory_space<vmem>> -> memref<128x128xf32, #tpu.memory_space<vmem>>
      %dma_start3A_419 = arith.constant 0 : i32
      %dma_start3A_420 = arith.constant 0 : i32
      %dma_start3A_421 = tpu.memref_slice %arg4[%add3A, %run_scoped3A_309, %dma_start3A_419, %dma_start3A_420] : memref<32x16x128x128xf32, #tpu.memory_space<hbm>> -> memref<1x1x128x128xf32, #tpu.memory_space<hbm>>
      %dma_start3A_422 = tpu.memref_squeeze %dma_start3A_421 : memref<1x1x128x128xf32, #tpu.memory_space<hbm>> -> memref<128x128xf32, #tpu.memory_space<hbm>>
      %dma_start3A_423 = arith.constant 0 : i32
      %dma_start3A_424 = arith.constant 0 : i32
      %dma_start3A_425 = tpu.memref_slice %arg4[%add3A, %run_scoped3A_309, %dma_start3A_423, %dma_start3A_424] : memref<32x16x128x128xf32, #tpu.memory_space<hbm>> -> memref<1x1x128x128xf32, #tpu.memory_space<hbm>>
      %dma_start3A_426 = tpu.memref_squeeze %dma_start3A_425 : memref<1x1x128x128xf32, #tpu.memory_space<hbm>> -> memref<128x128xf32, #tpu.memory_space<hbm>>
      %dma_start3A_427 = arith.constant 0 : i32
      %dma_start3A_428 = arith.constant 0 : i32
      %dma_start3A_429 = tpu.memref_slice %arg6[%run_scoped3A_308, %dma_start3A_427, %dma_start3A_428] : memref<4x128x128xf32, #tpu.memory_space<vmem>> -> memref<1x128x128xf32, #tpu.memory_space<vmem>>
      %dma_start3A_430 = tpu.memref_squeeze %dma_start3A_429 : memref<1x128x128xf32, #tpu.memory_space<vmem>> -> memref<128x128xf32, #tpu.memory_space<vmem>>
      tpu.enqueue_dma source(%dma_start3A_430 : memref<128x128xf32, #tpu.memory_space<vmem>>) target(%dma_start3A_426 : memref<128x128xf32, #tpu.memory_space<hbm>>) target_semaphore(%run_scoped3A_414 : memref<!tpu.dma_semaphore, #tpu.memory_space<semaphore_mem>>)
      %dma_wait3A_431 = arith.constant 0 : i32
      %dma_wait3A_432 = arith.constant 0 : i32
      %dma_wait3A_433 = tpu.memref_slice %arg6[%run_scoped3A_308, %dma_wait3A_431, %dma_wait3A_432] : memref<4x128x128xf32, #tpu.memory_space<vmem>> -> memref<1x128x128xf32, #tpu.memory_space<vmem>>
      %dma_wait3A_434 = tpu.memref_squeeze %dma_wait3A_433 : memref<1x128x128xf32, #tpu.memory_space<vmem>> -> memref<128x128xf32, #tpu.memory_space<vmem>>
      %dma_wait3A_435 = arith.constant 0 : i32
      %dma_wait3A_436 = arith.constant 0 : i32
      %dma_wait3A_437 = tpu.memref_slice %arg4[%add3A, %run_scoped3A_309, %dma_wait3A_435, %dma_wait3A_436] : memref<32x16x128x128xf32, #tpu.memory_space<hbm>> -> memref<1x1x128x128xf32, #tpu.memory_space<hbm>>
      %dma_wait3A_438 = tpu.memref_squeeze %dma_wait3A_437 : memref<1x1x128x128xf32, #tpu.memory_space<hbm>> -> memref<128x128xf32, #tpu.memory_space<hbm>>
      %dma_wait3A_439 = arith.constant 0 : i32
      %dma_wait3A_440 = arith.constant 0 : i32
      %dma_wait3A_441 = tpu.memref_slice %arg4[%add3A, %run_scoped3A_309, %dma_wait3A_439, %dma_wait3A_440] : memref<32x16x128x128xf32, #tpu.memory_space<hbm>> -> memref<1x1x128x128xf32, #tpu.memory_space<hbm>>
      %dma_wait3A_442 = tpu.memref_squeeze %dma_wait3A_441 : memref<1x1x128x128xf32, #tpu.memory_space<hbm>> -> memref<128x128xf32, #tpu.memory_space<hbm>>
      %dma_wait3A_443 = arith.constant 0 : i32
      %dma_wait3A_444 = arith.constant 0 : i32
      %dma_wait3A_445 = tpu.memref_slice %arg6[%run_scoped3A_308, %dma_wait3A_443, %dma_wait3A_444] : memref<4x128x128xf32, #tpu.memory_space<vmem>> -> memref<1x128x128xf32, #tpu.memory_space<vmem>>
      %dma_wait3A_446 = tpu.memref_squeeze %dma_wait3A_445 : memref<1x128x128xf32, #tpu.memory_space<vmem>> -> memref<128x128xf32, #tpu.memory_space<vmem>>
      tpu.wait_dma2 semaphore(%run_scoped3A_414 : memref<!tpu.dma_semaphore, #tpu.memory_space<semaphore_mem>>) src(%dma_wait3A_446 : memref<128x128xf32, #tpu.memory_space<vmem>>) dst(%dma_wait3A_442 : memref<128x128xf32, #tpu.memory_space<hbm>>)
      tpu.yield
    }) : () -> ()
    %dma_start3A_310 = arith.constant 12 : i32
    %dma_start3A_311 = arith.constant 0 : i32
    %dma_start3A_312 = arith.constant 0 : i32
    %dma_start3A_313 = arith.constant 0 : i32
    %dma_start3A_314 = tpu.memref_slice %arg6[%dma_start3A_311, %dma_start3A_312, %dma_start3A_313] : memref<4x128x128xf32, #tpu.memory_space<vmem>> -> memref<1x128x128xf32, #tpu.memory_space<vmem>>
    %dma_start3A_315 = tpu.memref_squeeze %dma_start3A_314 : memref<1x128x128xf32, #tpu.memory_space<vmem>> -> memref<128x128xf32, #tpu.memory_space<vmem>>
    %dma_start3A_316 = arith.constant 0 : i32
    %dma_start3A_317 = tpu.memref_slice %arg5[%dma_start3A_310, %dma_start3A_316] : memref<16x128xi32, #tpu.memory_space<vmem>> -> memref<1x128xi32, #tpu.memory_space<vmem>>
    %dma_start3A_318 = tpu.memref_squeeze %dma_start3A_317 : memref<1x128xi32, #tpu.memory_space<vmem>> -> memref<128xi32, #tpu.memory_space<vmem>>
    %dma_start3A_319 = arith.constant 0 : i32
    %dma_start3A_320 = arith.constant 0 : i32
    %dma_start3A_321 = tpu.memref_slice %arg2[%dma_start3A_319, %dma_start3A_320] : memref<1024x128xf32, #tpu.memory_space<hbm>> -> memref<1024x128xf32, #tpu.memory_space<hbm>>
    tpu.enqueue_indirect_dma source(%dma_start3A_321 : memref<1024x128xf32, #tpu.memory_space<hbm>>) target(%dma_start3A_315 : memref<128x128xf32, #tpu.memory_space<vmem>>) offsets(%dma_start3A_318 : memref<128xi32, #tpu.memory_space<vmem>>) semaphore(%arg7 : memref<!tpu.dma_semaphore, #tpu.memory_space<semaphore_mem>>)
    %dma_start3A_322 = arith.constant 13 : i32
    %dma_start3A_323 = arith.constant 1 : i32
    %dma_start3A_324 = arith.constant 0 : i32
    %dma_start3A_325 = arith.constant 0 : i32
    %dma_start3A_326 = tpu.memref_slice %arg6[%dma_start3A_323, %dma_start3A_324, %dma_start3A_325] : memref<4x128x128xf32, #tpu.memory_space<vmem>> -> memref<1x128x128xf32, #tpu.memory_space<vmem>>
    %dma_start3A_327 = tpu.memref_squeeze %dma_start3A_326 : memref<1x128x128xf32, #tpu.memory_space<vmem>> -> memref<128x128xf32, #tpu.memory_space<vmem>>
    %dma_start3A_328 = arith.constant 0 : i32
    %dma_start3A_329 = tpu.memref_slice %arg5[%dma_start3A_322, %dma_start3A_328] : memref<16x128xi32, #tpu.memory_space<vmem>> -> memref<1x128xi32, #tpu.memory_space<vmem>>
    %dma_start3A_330 = tpu.memref_squeeze %dma_start3A_329 : memref<1x128xi32, #tpu.memory_space<vmem>> -> memref<128xi32, #tpu.memory_space<vmem>>
    %dma_start3A_331 = arith.constant 0 : i32
    %dma_start3A_332 = arith.constant 0 : i32
    %dma_start3A_333 = tpu.memref_slice %arg2[%dma_start3A_331, %dma_start3A_332] : memref<1024x128xf32, #tpu.memory_space<hbm>> -> memref<1024x128xf32, #tpu.memory_space<hbm>>
    tpu.enqueue_indirect_dma source(%dma_start3A_333 : memref<1024x128xf32, #tpu.memory_space<hbm>>) target(%dma_start3A_327 : memref<128x128xf32, #tpu.memory_space<vmem>>) offsets(%dma_start3A_330 : memref<128xi32, #tpu.memory_space<vmem>>) semaphore(%arg7 : memref<!tpu.dma_semaphore, #tpu.memory_space<semaphore_mem>>)
    %dma_start3A_334 = arith.constant 14 : i32
    %dma_start3A_335 = arith.constant 2 : i32
    %dma_start3A_336 = arith.constant 0 : i32
    %dma_start3A_337 = arith.constant 0 : i32
    %dma_start3A_338 = tpu.memref_slice %arg6[%dma_start3A_335, %dma_start3A_336, %dma_start3A_337] : memref<4x128x128xf32, #tpu.memory_space<vmem>> -> memref<1x128x128xf32, #tpu.memory_space<vmem>>
    %dma_start3A_339 = tpu.memref_squeeze %dma_start3A_338 : memref<1x128x128xf32, #tpu.memory_space<vmem>> -> memref<128x128xf32, #tpu.memory_space<vmem>>
    %dma_start3A_340 = arith.constant 0 : i32
    %dma_start3A_341 = tpu.memref_slice %arg5[%dma_start3A_334, %dma_start3A_340] : memref<16x128xi32, #tpu.memory_space<vmem>> -> memref<1x128xi32, #tpu.memory_space<vmem>>
    %dma_start3A_342 = tpu.memref_squeeze %dma_start3A_341 : memref<1x128xi32, #tpu.memory_space<vmem>> -> memref<128xi32, #tpu.memory_space<vmem>>
    %dma_start3A_343 = arith.constant 0 : i32
    %dma_start3A_344 = arith.constant 0 : i32
    %dma_start3A_345 = tpu.memref_slice %arg2[%dma_start3A_343, %dma_start3A_344] : memref<1024x128xf32, #tpu.memory_space<hbm>> -> memref<1024x128xf32, #tpu.memory_space<hbm>>
    tpu.enqueue_indirect_dma source(%dma_start3A_345 : memref<1024x128xf32, #tpu.memory_space<hbm>>) target(%dma_start3A_339 : memref<128x128xf32, #tpu.memory_space<vmem>>) offsets(%dma_start3A_342 : memref<128xi32, #tpu.memory_space<vmem>>) semaphore(%arg7 : memref<!tpu.dma_semaphore, #tpu.memory_space<semaphore_mem>>)
    %dma_start3A_346 = arith.constant 15 : i32
    %dma_start3A_347 = arith.constant 3 : i32
    %dma_start3A_348 = arith.constant 0 : i32
    %dma_start3A_349 = arith.constant 0 : i32
    %dma_start3A_350 = tpu.memref_slice %arg6[%dma_start3A_347, %dma_start3A_348, %dma_start3A_349] : memref<4x128x128xf32, #tpu.memory_space<vmem>> -> memref<1x128x128xf32, #tpu.memory_space<vmem>>
    %dma_start3A_351 = tpu.memref_squeeze %dma_start3A_350 : memref<1x128x128xf32, #tpu.memory_space<vmem>> -> memref<128x128xf32, #tpu.memory_space<vmem>>
    %dma_start3A_352 = arith.constant 0 : i32
    %dma_start3A_353 = tpu.memref_slice %arg5[%dma_start3A_346, %dma_start3A_352] : memref<16x128xi32, #tpu.memory_space<vmem>> -> memref<1x128xi32, #tpu.memory_space<vmem>>
    %dma_start3A_354 = tpu.memref_squeeze %dma_start3A_353 : memref<1x128xi32, #tpu.memory_space<vmem>> -> memref<128xi32, #tpu.memory_space<vmem>>
    %dma_start3A_355 = arith.constant 0 : i32
    %dma_start3A_356 = arith.constant 0 : i32
    %dma_start3A_357 = tpu.memref_slice %arg2[%dma_start3A_355, %dma_start3A_356] : memref<1024x128xf32, #tpu.memory_space<hbm>> -> memref<1024x128xf32, #tpu.memory_space<hbm>>
    tpu.enqueue_indirect_dma source(%dma_start3A_357 : memref<1024x128xf32, #tpu.memory_space<hbm>>) target(%dma_start3A_351 : memref<128x128xf32, #tpu.memory_space<vmem>>) offsets(%dma_start3A_354 : memref<128xi32, #tpu.memory_space<vmem>>) semaphore(%arg7 : memref<!tpu.dma_semaphore, #tpu.memory_space<semaphore_mem>>)
    %dma_wait3A_358 = arith.constant 12 : i32
    %dma_wait3A_359 = arith.constant 0 : i32
    %dma_wait3A_360 = arith.constant 0 : i32
    %dma_wait3A_361 = arith.constant 0 : i32
    %dma_wait3A_362 = tpu.memref_slice %arg6[%dma_wait3A_359, %dma_wait3A_360, %dma_wait3A_361] : memref<4x128x128xf32, #tpu.memory_space<vmem>> -> memref<1x128x128xf32, #tpu.memory_space<vmem>>
    %dma_wait3A_363 = tpu.memref_squeeze %dma_wait3A_362 : memref<1x128x128xf32, #tpu.memory_space<vmem>> -> memref<128x128xf32, #tpu.memory_space<vmem>>
    %dma_wait3A_364 = arith.constant 0 : i32
    %dma_wait3A_365 = tpu.memref_slice %arg5[%dma_wait3A_358, %dma_wait3A_364] : memref<16x128xi32, #tpu.memory_space<vmem>> -> memref<1x128xi32, #tpu.memory_space<vmem>>
    %dma_wait3A_366 = tpu.memref_squeeze %dma_wait3A_365 : memref<1x128xi32, #tpu.memory_space<vmem>> -> memref<128xi32, #tpu.memory_space<vmem>>
    %dma_wait3A_367 = arith.constant 0 : i32
    %dma_wait3A_368 = arith.constant 0 : i32
    %dma_wait3A_369 = tpu.memref_slice %arg2[%dma_wait3A_367, %dma_wait3A_368] : memref<1024x128xf32, #tpu.memory_space<hbm>> -> memref<1024x128xf32, #tpu.memory_space<hbm>>
    tpu.wait_indirect_dma semaphore(%arg7 : memref<!tpu.dma_semaphore, #tpu.memory_space<semaphore_mem>>) src(%dma_wait3A_369 : memref<1024x128xf32, #tpu.memory_space<hbm>>) dst(%dma_wait3A_363 : memref<128x128xf32, #tpu.memory_space<vmem>>)
    %dma_wait3A_370 = arith.constant 13 : i32
    %dma_wait3A_371 = arith.constant 1 : i32
    %dma_wait3A_372 = arith.constant 0 : i32
    %dma_wait3A_373 = arith.constant 0 : i32
    %dma_wait3A_374 = tpu.memref_slice %arg6[%dma_wait3A_371, %dma_wait3A_372, %dma_wait3A_373] : memref<4x128x128xf32, #tpu.memory_space<vmem>> -> memref<1x128x128xf32, #tpu.memory_space<vmem>>
    %dma_wait3A_375 = tpu.memref_squeeze %dma_wait3A_374 : memref<1x128x128xf32, #tpu.memory_space<vmem>> -> memref<128x128xf32, #tpu.memory_space<vmem>>
    %dma_wait3A_376 = arith.constant 0 : i32
    %dma_wait3A_377 = tpu.memref_slice %arg5[%dma_wait3A_370, %dma_wait3A_376] : memref<16x128xi32, #tpu.memory_space<vmem>> -> memref<1x128xi32, #tpu.memory_space<vmem>>
    %dma_wait3A_378 = tpu.memref_squeeze %dma_wait3A_377 : memref<1x128xi32, #tpu.memory_space<vmem>> -> memref<128xi32, #tpu.memory_space<vmem>>
    %dma_wait3A_379 = arith.constant 0 : i32
    %dma_wait3A_380 = arith.constant 0 : i32
    %dma_wait3A_381 = tpu.memref_slice %arg2[%dma_wait3A_379, %dma_wait3A_380] : memref<1024x128xf32, #tpu.memory_space<hbm>> -> memref<1024x128xf32, #tpu.memory_space<hbm>>
    tpu.wait_indirect_dma semaphore(%arg7 : memref<!tpu.dma_semaphore, #tpu.memory_space<semaphore_mem>>) src(%dma_wait3A_381 : memref<1024x128xf32, #tpu.memory_space<hbm>>) dst(%dma_wait3A_375 : memref<128x128xf32, #tpu.memory_space<vmem>>)
    %dma_wait3A_382 = arith.constant 14 : i32
    %dma_wait3A_383 = arith.constant 2 : i32
    %dma_wait3A_384 = arith.constant 0 : i32
    %dma_wait3A_385 = arith.constant 0 : i32
    %dma_wait3A_386 = tpu.memref_slice %arg6[%dma_wait3A_383, %dma_wait3A_384, %dma_wait3A_385] : memref<4x128x128xf32, #tpu.memory_space<vmem>> -> memref<1x128x128xf32, #tpu.memory_space<vmem>>
    %dma_wait3A_387 = tpu.memref_squeeze %dma_wait3A_386 : memref<1x128x128xf32, #tpu.memory_space<vmem>> -> memref<128x128xf32, #tpu.memory_space<vmem>>
    %dma_wait3A_388 = arith.constant 0 : i32
    %dma_wait3A_389 = tpu.memref_slice %arg5[%dma_wait3A_382, %dma_wait3A_388] : memref<16x128xi32, #tpu.memory_space<vmem>> -> memref<1x128xi32, #tpu.memory_space<vmem>>
    %dma_wait3A_390 = tpu.memref_squeeze %dma_wait3A_389 : memref<1x128xi32, #tpu.memory_space<vmem>> -> memref<128xi32, #tpu.memory_space<vmem>>
    %dma_wait3A_391 = arith.constant 0 : i32
    %dma_wait3A_392 = arith.constant 0 : i32
    %dma_wait3A_393 = tpu.memref_slice %arg2[%dma_wait3A_391, %dma_wait3A_392] : memref<1024x128xf32, #tpu.memory_space<hbm>> -> memref<1024x128xf32, #tpu.memory_space<hbm>>
    tpu.wait_indirect_dma semaphore(%arg7 : memref<!tpu.dma_semaphore, #tpu.memory_space<semaphore_mem>>) src(%dma_wait3A_393 : memref<1024x128xf32, #tpu.memory_space<hbm>>) dst(%dma_wait3A_387 : memref<128x128xf32, #tpu.memory_space<vmem>>)
    %dma_wait3A_394 = arith.constant 15 : i32
    %dma_wait3A_395 = arith.constant 3 : i32
    %dma_wait3A_396 = arith.constant 0 : i32
    %dma_wait3A_397 = arith.constant 0 : i32
    %dma_wait3A_398 = tpu.memref_slice %arg6[%dma_wait3A_395, %dma_wait3A_396, %dma_wait3A_397] : memref<4x128x128xf32, #tpu.memory_space<vmem>> -> memref<1x128x128xf32, #tpu.memory_space<vmem>>
    %dma_wait3A_399 = tpu.memref_squeeze %dma_wait3A_398 : memref<1x128x128xf32, #tpu.memory_space<vmem>> -> memref<128x128xf32, #tpu.memory_space<vmem>>
    %dma_wait3A_400 = arith.constant 0 : i32
    %dma_wait3A_401 = tpu.memref_slice %arg5[%dma_wait3A_394, %dma_wait3A_400] : memref<16x128xi32, #tpu.memory_space<vmem>> -> memref<1x128xi32, #tpu.memory_space<vmem>>
    %dma_wait3A_402 = tpu.memref_squeeze %dma_wait3A_401 : memref<1x128xi32, #tpu.memory_space<vmem>> -> memref<128xi32, #tpu.memory_space<vmem>>
    %dma_wait3A_403 = arith.constant 0 : i32
    %dma_wait3A_404 = arith.constant 0 : i32
    %dma_wait3A_405 = tpu.memref_slice %arg2[%dma_wait3A_403, %dma_wait3A_404] : memref<1024x128xf32, #tpu.memory_space<hbm>> -> memref<1024x128xf32, #tpu.memory_space<hbm>>
    tpu.wait_indirect_dma semaphore(%arg7 : memref<!tpu.dma_semaphore, #tpu.memory_space<semaphore_mem>>) src(%dma_wait3A_405 : memref<1024x128xf32, #tpu.memory_space<hbm>>) dst(%dma_wait3A_399 : memref<128x128xf32, #tpu.memory_space<vmem>>)
    %run_scoped3A_406 = arith.constant 0 : i32
    %run_scoped3A_407 = arith.constant 12 : i32
    "tpu.region"() ({
      %run_scoped3A_414 = tpu.sem_alloc : memref<!tpu.dma_semaphore, #tpu.memory_space<semaphore_mem>>
      %dma_start3A_415 = arith.constant 0 : i32
      %dma_start3A_416 = arith.constant 0 : i32
      %dma_start3A_417 = tpu.memref_slice %arg6[%run_scoped3A_406, %dma_start3A_415, %dma_start3A_416] : memref<4x128x128xf32, #tpu.memory_space<vmem>> -> memref<1x128x128xf32, #tpu.memory_space<vmem>>
      %dma_start3A_418 = tpu.memref_squeeze %dma_start3A_417 : memref<1x128x128xf32, #tpu.memory_space<vmem>> -> memref<128x128xf32, #tpu.memory_space<vmem>>
      %dma_start3A_419 = arith.constant 0 : i32
      %dma_start3A_420 = arith.constant 0 : i32
      %dma_start3A_421 = tpu.memref_slice %arg4[%add3A, %run_scoped3A_407, %dma_start3A_419, %dma_start3A_420] : memref<32x16x128x128xf32, #tpu.memory_space<hbm>> -> memref<1x1x128x128xf32, #tpu.memory_space<hbm>>
      %dma_start3A_422 = tpu.memref_squeeze %dma_start3A_421 : memref<1x1x128x128xf32, #tpu.memory_space<hbm>> -> memref<128x128xf32, #tpu.memory_space<hbm>>
      %dma_start3A_423 = arith.constant 0 : i32
      %dma_start3A_424 = arith.constant 0 : i32
      %dma_start3A_425 = tpu.memref_slice %arg4[%add3A, %run_scoped3A_407, %dma_start3A_423, %dma_start3A_424] : memref<32x16x128x128xf32, #tpu.memory_space<hbm>> -> memref<1x1x128x128xf32, #tpu.memory_space<hbm>>
      %dma_start3A_426 = tpu.memref_squeeze %dma_start3A_425 : memref<1x1x128x128xf32, #tpu.memory_space<hbm>> -> memref<128x128xf32, #tpu.memory_space<hbm>>
      %dma_start3A_427 = arith.constant 0 : i32
      %dma_start3A_428 = arith.constant 0 : i32
      %dma_start3A_429 = tpu.memref_slice %arg6[%run_scoped3A_406, %dma_start3A_427, %dma_start3A_428] : memref<4x128x128xf32, #tpu.memory_space<vmem>> -> memref<1x128x128xf32, #tpu.memory_space<vmem>>
      %dma_start3A_430 = tpu.memref_squeeze %dma_start3A_429 : memref<1x128x128xf32, #tpu.memory_space<vmem>> -> memref<128x128xf32, #tpu.memory_space<vmem>>
      tpu.enqueue_dma source(%dma_start3A_430 : memref<128x128xf32, #tpu.memory_space<vmem>>) target(%dma_start3A_426 : memref<128x128xf32, #tpu.memory_space<hbm>>) target_semaphore(%run_scoped3A_414 : memref<!tpu.dma_semaphore, #tpu.memory_space<semaphore_mem>>)
      %dma_wait3A_431 = arith.constant 0 : i32
      %dma_wait3A_432 = arith.constant 0 : i32
      %dma_wait3A_433 = tpu.memref_slice %arg6[%run_scoped3A_406, %dma_wait3A_431, %dma_wait3A_432] : memref<4x128x128xf32, #tpu.memory_space<vmem>> -> memref<1x128x128xf32, #tpu.memory_space<vmem>>
      %dma_wait3A_434 = tpu.memref_squeeze %dma_wait3A_433 : memref<1x128x128xf32, #tpu.memory_space<vmem>> -> memref<128x128xf32, #tpu.memory_space<vmem>>
      %dma_wait3A_435 = arith.constant 0 : i32
      %dma_wait3A_436 = arith.constant 0 : i32
      %dma_wait3A_437 = tpu.memref_slice %arg4[%add3A, %run_scoped3A_407, %dma_wait3A_435, %dma_wait3A_436] : memref<32x16x128x128xf32, #tpu.memory_space<hbm>> -> memref<1x1x128x128xf32, #tpu.memory_space<hbm>>
      %dma_wait3A_438 = tpu.memref_squeeze %dma_wait3A_437 : memref<1x1x128x128xf32, #tpu.memory_space<hbm>> -> memref<128x128xf32, #tpu.memory_space<hbm>>
      %dma_wait3A_439 = arith.constant 0 : i32
      %dma_wait3A_440 = arith.constant 0 : i32
      %dma_wait3A_441 = tpu.memref_slice %arg4[%add3A, %run_scoped3A_407, %dma_wait3A_439, %dma_wait3A_440] : memref<32x16x128x128xf32, #tpu.memory_space<hbm>> -> memref<1x1x128x128xf32, #tpu.memory_space<hbm>>
      %dma_wait3A_442 = tpu.memref_squeeze %dma_wait3A_441 : memref<1x1x128x128xf32, #tpu.memory_space<hbm>> -> memref<128x128xf32, #tpu.memory_space<hbm>>
      %dma_wait3A_443 = arith.constant 0 : i32
      %dma_wait3A_444 = arith.constant 0 : i32
      %dma_wait3A_445 = tpu.memref_slice %arg6[%run_scoped3A_406, %dma_wait3A_443, %dma_wait3A_444] : memref<4x128x128xf32, #tpu.memory_space<vmem>> -> memref<1x128x128xf32, #tpu.memory_space<vmem>>
      %dma_wait3A_446 = tpu.memref_squeeze %dma_wait3A_445 : memref<1x128x128xf32, #tpu.memory_space<vmem>> -> memref<128x128xf32, #tpu.memory_space<vmem>>
      tpu.wait_dma2 semaphore(%run_scoped3A_414 : memref<!tpu.dma_semaphore, #tpu.memory_space<semaphore_mem>>) src(%dma_wait3A_446 : memref<128x128xf32, #tpu.memory_space<vmem>>) dst(%dma_wait3A_442 : memref<128x128xf32, #tpu.memory_space<hbm>>)
      tpu.yield
    }) : () -> ()
    %run_scoped3A_408 = arith.constant 1 : i32
    %run_scoped3A_409 = arith.constant 13 : i32
    "tpu.region"() ({
      %run_scoped3A_414 = tpu.sem_alloc : memref<!tpu.dma_semaphore, #tpu.memory_space<semaphore_mem>>
      %dma_start3A_415 = arith.constant 0 : i32
      %dma_start3A_416 = arith.constant 0 : i32
      %dma_start3A_417 = tpu.memref_slice %arg6[%run_scoped3A_408, %dma_start3A_415, %dma_start3A_416] : memref<4x128x128xf32, #tpu.memory_space<vmem>> -> memref<1x128x128xf32, #tpu.memory_space<vmem>>
      %dma_start3A_418 = tpu.memref_squeeze %dma_start3A_417 : memref<1x128x128xf32, #tpu.memory_space<vmem>> -> memref<128x128xf32, #tpu.memory_space<vmem>>
      %dma_start3A_419 = arith.constant 0 : i32
      %dma_start3A_420 = arith.constant 0 : i32
      %dma_start3A_421 = tpu.memref_slice %arg4[%add3A, %run_scoped3A_409, %dma_start3A_419, %dma_start3A_420] : memref<32x16x128x128xf32, #tpu.memory_space<hbm>> -> memref<1x1x128x128xf32, #tpu.memory_space<hbm>>
      %dma_start3A_422 = tpu.memref_squeeze %dma_start3A_421 : memref<1x1x128x128xf32, #tpu.memory_space<hbm>> -> memref<128x128xf32, #tpu.memory_space<hbm>>
      %dma_start3A_423 = arith.constant 0 : i32
      %dma_start3A_424 = arith.constant 0 : i32
      %dma_start3A_425 = tpu.memref_slice %arg4[%add3A, %run_scoped3A_409, %dma_start3A_423, %dma_start3A_424] : memref<32x16x128x128xf32, #tpu.memory_space<hbm>> -> memref<1x1x128x128xf32, #tpu.memory_space<hbm>>
      %dma_start3A_426 = tpu.memref_squeeze %dma_start3A_425 : memref<1x1x128x128xf32, #tpu.memory_space<hbm>> -> memref<128x128xf32, #tpu.memory_space<hbm>>
      %dma_start3A_427 = arith.constant 0 : i32
      %dma_start3A_428 = arith.constant 0 : i32
      %dma_start3A_429 = tpu.memref_slice %arg6[%run_scoped3A_408, %dma_start3A_427, %dma_start3A_428] : memref<4x128x128xf32, #tpu.memory_space<vmem>> -> memref<1x128x128xf32, #tpu.memory_space<vmem>>
      %dma_start3A_430 = tpu.memref_squeeze %dma_start3A_429 : memref<1x128x128xf32, #tpu.memory_space<vmem>> -> memref<128x128xf32, #tpu.memory_space<vmem>>
      tpu.enqueue_dma source(%dma_start3A_430 : memref<128x128xf32, #tpu.memory_space<vmem>>) target(%dma_start3A_426 : memref<128x128xf32, #tpu.memory_space<hbm>>) target_semaphore(%run_scoped3A_414 : memref<!tpu.dma_semaphore, #tpu.memory_space<semaphore_mem>>)
      %dma_wait3A_431 = arith.constant 0 : i32
      %dma_wait3A_432 = arith.constant 0 : i32
      %dma_wait3A_433 = tpu.memref_slice %arg6[%run_scoped3A_408, %dma_wait3A_431, %dma_wait3A_432] : memref<4x128x128xf32, #tpu.memory_space<vmem>> -> memref<1x128x128xf32, #tpu.memory_space<vmem>>
      %dma_wait3A_434 = tpu.memref_squeeze %dma_wait3A_433 : memref<1x128x128xf32, #tpu.memory_space<vmem>> -> memref<128x128xf32, #tpu.memory_space<vmem>>
      %dma_wait3A_435 = arith.constant 0 : i32
      %dma_wait3A_436 = arith.constant 0 : i32
      %dma_wait3A_437 = tpu.memref_slice %arg4[%add3A, %run_scoped3A_409, %dma_wait3A_435, %dma_wait3A_436] : memref<32x16x128x128xf32, #tpu.memory_space<hbm>> -> memref<1x1x128x128xf32, #tpu.memory_space<hbm>>
      %dma_wait3A_438 = tpu.memref_squeeze %dma_wait3A_437 : memref<1x1x128x128xf32, #tpu.memory_space<hbm>> -> memref<128x128xf32, #tpu.memory_space<hbm>>
      %dma_wait3A_439 = arith.constant 0 : i32
      %dma_wait3A_440 = arith.constant 0 : i32
      %dma_wait3A_441 = tpu.memref_slice %arg4[%add3A, %run_scoped3A_409, %dma_wait3A_439, %dma_wait3A_440] : memref<32x16x128x128xf32, #tpu.memory_space<hbm>> -> memref<1x1x128x128xf32, #tpu.memory_space<hbm>>
      %dma_wait3A_442 = tpu.memref_squeeze %dma_wait3A_441 : memref<1x1x128x128xf32, #tpu.memory_space<hbm>> -> memref<128x128xf32, #tpu.memory_space<hbm>>
      %dma_wait3A_443 = arith.constant 0 : i32
      %dma_wait3A_444 = arith.constant 0 : i32
      %dma_wait3A_445 = tpu.memref_slice %arg6[%run_scoped3A_408, %dma_wait3A_443, %dma_wait3A_444] : memref<4x128x128xf32, #tpu.memory_space<vmem>> -> memref<1x128x128xf32, #tpu.memory_space<vmem>>
      %dma_wait3A_446 = tpu.memref_squeeze %dma_wait3A_445 : memref<1x128x128xf32, #tpu.memory_space<vmem>> -> memref<128x128xf32, #tpu.memory_space<vmem>>
      tpu.wait_dma2 semaphore(%run_scoped3A_414 : memref<!tpu.dma_semaphore, #tpu.memory_space<semaphore_mem>>) src(%dma_wait3A_446 : memref<128x128xf32, #tpu.memory_space<vmem>>) dst(%dma_wait3A_442 : memref<128x128xf32, #tpu.memory_space<hbm>>)
      tpu.yield
    }) : () -> ()
    %run_scoped3A_410 = arith.constant 2 : i32
    %run_scoped3A_411 = arith.constant 14 : i32
    "tpu.region"() ({
      %run_scoped3A_414 = tpu.sem_alloc : memref<!tpu.dma_semaphore, #tpu.memory_space<semaphore_mem>>
      %dma_start3A_415 = arith.constant 0 : i32
      %dma_start3A_416 = arith.constant 0 : i32
      %dma_start3A_417 = tpu.memref_slice %arg6[%run_scoped3A_410, %dma_start3A_415, %dma_start3A_416] : memref<4x128x128xf32, #tpu.memory_space<vmem>> -> memref<1x128x128xf32, #tpu.memory_space<vmem>>
      %dma_start3A_418 = tpu.memref_squeeze %dma_start3A_417 : memref<1x128x128xf32, #tpu.memory_space<vmem>> -> memref<128x128xf32, #tpu.memory_space<vmem>>
      %dma_start3A_419 = arith.constant 0 : i32
      %dma_start3A_420 = arith.constant 0 : i32
      %dma_start3A_421 = tpu.memref_slice %arg4[%add3A, %run_scoped3A_411, %dma_start3A_419, %dma_start3A_420] : memref<32x16x128x128xf32, #tpu.memory_space<hbm>> -> memref<1x1x128x128xf32, #tpu.memory_space<hbm>>
      %dma_start3A_422 = tpu.memref_squeeze %dma_start3A_421 : memref<1x1x128x128xf32, #tpu.memory_space<hbm>> -> memref<128x128xf32, #tpu.memory_space<hbm>>
      %dma_start3A_423 = arith.constant 0 : i32
      %dma_start3A_424 = arith.constant 0 : i32
      %dma_start3A_425 = tpu.memref_slice %arg4[%add3A, %run_scoped3A_411, %dma_start3A_423, %dma_start3A_424] : memref<32x16x128x128xf32, #tpu.memory_space<hbm>> -> memref<1x1x128x128xf32, #tpu.memory_space<hbm>>
      %dma_start3A_426 = tpu.memref_squeeze %dma_start3A_425 : memref<1x1x128x128xf32, #tpu.memory_space<hbm>> -> memref<128x128xf32, #tpu.memory_space<hbm>>
      %dma_start3A_427 = arith.constant 0 : i32
      %dma_start3A_428 = arith.constant 0 : i32
      %dma_start3A_429 = tpu.memref_slice %arg6[%run_scoped3A_410, %dma_start3A_427, %dma_start3A_428] : memref<4x128x128xf32, #tpu.memory_space<vmem>> -> memref<1x128x128xf32, #tpu.memory_space<vmem>>
      %dma_start3A_430 = tpu.memref_squeeze %dma_start3A_429 : memref<1x128x128xf32, #tpu.memory_space<vmem>> -> memref<128x128xf32, #tpu.memory_space<vmem>>
      tpu.enqueue_dma source(%dma_start3A_430 : memref<128x128xf32, #tpu.memory_space<vmem>>) target(%dma_start3A_426 : memref<128x128xf32, #tpu.memory_space<hbm>>) target_semaphore(%run_scoped3A_414 : memref<!tpu.dma_semaphore, #tpu.memory_space<semaphore_mem>>)
      %dma_wait3A_431 = arith.constant 0 : i32
      %dma_wait3A_432 = arith.constant 0 : i32
      %dma_wait3A_433 = tpu.memref_slice %arg6[%run_scoped3A_410, %dma_wait3A_431, %dma_wait3A_432] : memref<4x128x128xf32, #tpu.memory_space<vmem>> -> memref<1x128x128xf32, #tpu.memory_space<vmem>>
      %dma_wait3A_434 = tpu.memref_squeeze %dma_wait3A_433 : memref<1x128x128xf32, #tpu.memory_space<vmem>> -> memref<128x128xf32, #tpu.memory_space<vmem>>
      %dma_wait3A_435 = arith.constant 0 : i32
      %dma_wait3A_436 = arith.constant 0 : i32
      %dma_wait3A_437 = tpu.memref_slice %arg4[%add3A, %run_scoped3A_411, %dma_wait3A_435, %dma_wait3A_436] : memref<32x16x128x128xf32, #tpu.memory_space<hbm>> -> memref<1x1x128x128xf32, #tpu.memory_space<hbm>>
      %dma_wait3A_438 = tpu.memref_squeeze %dma_wait3A_437 : memref<1x1x128x128xf32, #tpu.memory_space<hbm>> -> memref<128x128xf32, #tpu.memory_space<hbm>>
      %dma_wait3A_439 = arith.constant 0 : i32
      %dma_wait3A_440 = arith.constant 0 : i32
      %dma_wait3A_441 = tpu.memref_slice %arg4[%add3A, %run_scoped3A_411, %dma_wait3A_439, %dma_wait3A_440] : memref<32x16x128x128xf32, #tpu.memory_space<hbm>> -> memref<1x1x128x128xf32, #tpu.memory_space<hbm>>
      %dma_wait3A_442 = tpu.memref_squeeze %dma_wait3A_441 : memref<1x1x128x128xf32, #tpu.memory_space<hbm>> -> memref<128x128xf32, #tpu.memory_space<hbm>>
      %dma_wait3A_443 = arith.constant 0 : i32
      %dma_wait3A_444 = arith.constant 0 : i32
      %dma_wait3A_445 = tpu.memref_slice %arg6[%run_scoped3A_410, %dma_wait3A_443, %dma_wait3A_444] : memref<4x128x128xf32, #tpu.memory_space<vmem>> -> memref<1x128x128xf32, #tpu.memory_space<vmem>>
      %dma_wait3A_446 = tpu.memref_squeeze %dma_wait3A_445 : memref<1x128x128xf32, #tpu.memory_space<vmem>> -> memref<128x128xf32, #tpu.memory_space<vmem>>
      tpu.wait_dma2 semaphore(%run_scoped3A_414 : memref<!tpu.dma_semaphore, #tpu.memory_space<semaphore_mem>>) src(%dma_wait3A_446 : memref<128x128xf32, #tpu.memory_space<vmem>>) dst(%dma_wait3A_442 : memref<128x128xf32, #tpu.memory_space<hbm>>)
      tpu.yield
    }) : () -> ()
    %run_scoped3A_412 = arith.constant 3 : i32
    %run_scoped3A_413 = arith.constant 15 : i32
    "tpu.region"() ({
      %run_scoped3A_414 = tpu.sem_alloc : memref<!tpu.dma_semaphore, #tpu.memory_space<semaphore_mem>>
      %dma_start3A_415 = arith.constant 0 : i32
      %dma_start3A_416 = arith.constant 0 : i32
      %dma_start3A_417 = tpu.memref_slice %arg6[%run_scoped3A_412, %dma_start3A_415, %dma_start3A_416] : memref<4x128x128xf32, #tpu.memory_space<vmem>> -> memref<1x128x128xf32, #tpu.memory_space<vmem>>
      %dma_start3A_418 = tpu.memref_squeeze %dma_start3A_417 : memref<1x128x128xf32, #tpu.memory_space<vmem>> -> memref<128x128xf32, #tpu.memory_space<vmem>>
      %dma_start3A_419 = arith.constant 0 : i32
      %dma_start3A_420 = arith.constant 0 : i32
      %dma_start3A_421 = tpu.memref_slice %arg4[%add3A, %run_scoped3A_413, %dma_start3A_419, %dma_start3A_420] : memref<32x16x128x128xf32, #tpu.memory_space<hbm>> -> memref<1x1x128x128xf32, #tpu.memory_space<hbm>>
      %dma_start3A_422 = tpu.memref_squeeze %dma_start3A_421 : memref<1x1x128x128xf32, #tpu.memory_space<hbm>> -> memref<128x128xf32, #tpu.memory_space<hbm>>
      %dma_start3A_423 = arith.constant 0 : i32
      %dma_start3A_424 = arith.constant 0 : i32
      %dma_start3A_425 = tpu.memref_slice %arg4[%add3A, %run_scoped3A_413, %dma_start3A_423, %dma_start3A_424] : memref<32x16x128x128xf32, #tpu.memory_space<hbm>> -> memref<1x1x128x128xf32, #tpu.memory_space<hbm>>
      %dma_start3A_426 = tpu.memref_squeeze %dma_start3A_425 : memref<1x1x128x128xf32, #tpu.memory_space<hbm>> -> memref<128x128xf32, #tpu.memory_space<hbm>>
      %dma_start3A_427 = arith.constant 0 : i32
      %dma_start3A_428 = arith.constant 0 : i32
      %dma_start3A_429 = tpu.memref_slice %arg6[%run_scoped3A_412, %dma_start3A_427, %dma_start3A_428] : memref<4x128x128xf32, #tpu.memory_space<vmem>> -> memref<1x128x128xf32, #tpu.memory_space<vmem>>
      %dma_start3A_430 = tpu.memref_squeeze %dma_start3A_429 : memref<1x128x128xf32, #tpu.memory_space<vmem>> -> memref<128x128xf32, #tpu.memory_space<vmem>>
      tpu.enqueue_dma source(%dma_start3A_430 : memref<128x128xf32, #tpu.memory_space<vmem>>) target(%dma_start3A_426 : memref<128x128xf32, #tpu.memory_space<hbm>>) target_semaphore(%run_scoped3A_414 : memref<!tpu.dma_semaphore, #tpu.memory_space<semaphore_mem>>)
      %dma_wait3A_431 = arith.constant 0 : i32
      %dma_wait3A_432 = arith.constant 0 : i32
      %dma_wait3A_433 = tpu.memref_slice %arg6[%run_scoped3A_412, %dma_wait3A_431, %dma_wait3A_432] : memref<4x128x128xf32, #tpu.memory_space<vmem>> -> memref<1x128x128xf32, #tpu.memory_space<vmem>>
      %dma_wait3A_434 = tpu.memref_squeeze %dma_wait3A_433 : memref<1x128x128xf32, #tpu.memory_space<vmem>> -> memref<128x128xf32, #tpu.memory_space<vmem>>
      %dma_wait3A_435 = arith.constant 0 : i32
      %dma_wait3A_436 = arith.constant 0 : i32
      %dma_wait3A_437 = tpu.memref_slice %arg4[%add3A, %run_scoped3A_413, %dma_wait3A_435, %dma_wait3A_436] : memref<32x16x128x128xf32, #tpu.memory_space<hbm>> -> memref<1x1x128x128xf32, #tpu.memory_space<hbm>>
      %dma_wait3A_438 = tpu.memref_squeeze %dma_wait3A_437 : memref<1x1x128x128xf32, #tpu.memory_space<hbm>> -> memref<128x128xf32, #tpu.memory_space<hbm>>
      %dma_wait3A_439 = arith.constant 0 : i32
      %dma_wait3A_440 = arith.constant 0 : i32
      %dma_wait3A_441 = tpu.memref_slice %arg4[%add3A, %run_scoped3A_413, %dma_wait3A_439, %dma_wait3A_440] : memref<32x16x128x128xf32, #tpu.memory_space<hbm>> -> memref<1x1x128x128xf32, #tpu.memory_space<hbm>>
      %dma_wait3A_442 = tpu.memref_squeeze %dma_wait3A_441 : memref<1x1x128x128xf32, #tpu.memory_space<hbm>> -> memref<128x128xf32, #tpu.memory_space<hbm>>
      %dma_wait3A_443 = arith.constant 0 : i32
      %dma_wait3A_444 = arith.constant 0 : i32
      %dma_wait3A_445 = tpu.memref_slice %arg6[%run_scoped3A_412, %dma_wait3A_443, %dma_wait3A_444] : memref<4x128x128xf32, #tpu.memory_space<vmem>> -> memref<1x128x128xf32, #tpu.memory_space<vmem>>
      %dma_wait3A_446 = tpu.memref_squeeze %dma_wait3A_445 : memref<1x128x128xf32, #tpu.memory_space<vmem>> -> memref<128x128xf32, #tpu.memory_space<vmem>>
      tpu.wait_dma2 semaphore(%run_scoped3A_414 : memref<!tpu.dma_semaphore, #tpu.memory_space<semaphore_mem>>) src(%dma_wait3A_446 : memref<128x128xf32, #tpu.memory_space<vmem>>) dst(%dma_wait3A_442 : memref<128x128xf32, #tpu.memory_space<hbm>>)
      tpu.yield
    }) : () -> ()
    return
  }
}

module attributes {stable_mosaic.version = 14 : i64} {
  func.func @_vq_tc(%arg0: i32, %arg1: memref<1x64x1024xf32, #tpu.memory_space<vmem>>, %arg2: memref<64x1024xf32, #tpu.memory_space<vmem>>, %arg3: memref<64x1024xf32, #tpu.memory_space<vmem>>, %arg4: memref<1024xi32, #tpu.memory_space<vmem>>, %arg5: memref<1x1xf32, #tpu.memory_space<smem>>) attributes {dimension_semantics = [#tpu.dimension_semantics<arbitrary>], iteration_bounds = array<i64: 64>, scalar_prefetch = 0 : i64, scratch_operands = 0 : i64, tpu.core_type = #tpu.core_type<tc>, window_params = [{transform_indices = @transform_0, window_bounds = array<i64: 1, 64, 1024>}, {pipeline_mode = #tpu.pipeline_mode<synchronous>, transform_indices = @transform_1, window_bounds = array<i64: 64, 1024>}, {transform_indices = @transform_2, window_bounds = array<i64: 64, 1024>}, {transform_indices = @transform_3, window_bounds = array<i64: 1024>}, {transform_indices = @transform_4, window_bounds = array<i64: 1, 1>}]} {
    %get3A = arith.constant 0 : index
    %get3A_0 = arith.constant 0 : index
    %get3A_1 = arith.constant 0 : index
    %get3A_2 = vector.load %arg1[%get3A, %get3A_0, %get3A_1] : memref<1x64x1024xf32, #tpu.memory_space<vmem>>, vector<1x64x1024xf32>
    %reshape3A = vector.shape_cast %get3A_2 : vector<1x64x1024xf32> to vector<64x1024xf32>
    %get3A_3 = arith.constant 0 : index
    %get3A_4 = arith.constant 0 : index
    %get3A_5 = vector.load %arg2[%get3A_3, %get3A_4] : memref<64x1024xf32, #tpu.memory_space<vmem>>, vector<64x1024xf32>
    %mul3A = arith.mulf %get3A_5, %get3A_5 : vector<64x1024xf32>
    %reduce_sum3A = arith.constant dense<0.000000e+00> : vector<1024xf32>
    %reduce_sum3A_6 = vector.multi_reduction <add>, %mul3A, %reduce_sum3A [0] : vector<64x1024xf32> to vector<1024xf32>
    %dot_general3A = arith.constant dense<0.000000e+00> : vector<1024x1024xf32>
    %dot_general3A_7 = tpu.matmul %get3A_5, %reshape3A, %dot_general3A {dimension_numbers = #tpu.dot_dimension_numbers<[0], [0], [1], [1], [0, 1, 1, 1], [], []>, transpose_lhs_hint = false} : vector<64x1024xf32>, vector<64x1024xf32>, vector<1024x1024xf32> -> vector<1024x1024xf32>
    %broadcast_in_dim3A = vector.shape_cast %reduce_sum3A_6 : vector<1024xf32> to vector<1024x1xf32>
    %mul3A_8 = arith.constant 2.000000e+00 : f32
    %mul3A_9 = vector.broadcast %mul3A_8 : f32 to vector<1024x1024xf32>
    %mul3A_10 = arith.mulf %mul3A_9, %dot_general3A_7 : vector<1024x1024xf32>
    %sub3A = vector.broadcast %broadcast_in_dim3A : vector<1024x1xf32> to vector<1024x1024xf32>
    %sub3A_11 = arith.subf %sub3A, %mul3A_10 : vector<1024x1024xf32>
    %argmin3A = tpu.reduce_index %sub3A_11 {axis = 0 : i32, kind = #tpu.reduction_kind<arg_min>} : vector<1024x1024xf32> -> vector<1024xi32>
    %swap3A = arith.constant 0 : index
    %swap3A_12 = vector.load %arg4[%swap3A] : memref<1024xi32, #tpu.memory_space<vmem>>, vector<1024xi32>
    tpu.vector_store %arg4[%swap3A], %argmin3A {strides = array<i32>} : memref<1024xi32, #tpu.memory_space<vmem>>, vector<1024xi32>,
    %iota3A = tpu.iota {dimensions = array<i32: 0>} : vector<1024x1024xi32>
    %broadcast_in_dim3A_13 = vector.shape_cast %argmin3A : vector<1024xi32> to vector<1x1024xi32>
    %eq3A = vector.broadcast %broadcast_in_dim3A_13 : vector<1x1024xi32> to vector<1024x1024xi32>
    %eq3A_14 = arith.cmpi eq, %iota3A, %eq3A : vector<1024x1024xi32>
    %convert_element_type3A = arith.extui %eq3A_14 : vector<1024x1024xi1> to vector<1024x1024xi32>
    %convert_element_type3A_15 = arith.sitofp %convert_element_type3A : vector<1024x1024xi32> to vector<1024x1024xf32>
    %convert_element_type3A_16 = arith.truncf %convert_element_type3A_15 : vector<1024x1024xf32> to vector<1024x1024xbf16>
    %convert_element_type3A_17 = arith.truncf %get3A_5 : vector<64x1024xf32> to vector<64x1024xbf16>
    %dot_general3A_18 = arith.constant dense<0.000000e+00> : vector<64x1024xf32>
    %dot_general3A_19 = tpu.matmul %convert_element_type3A_17, %convert_element_type3A_16, %dot_general3A_18 {dimension_numbers = #tpu.dot_dimension_numbers<[1], [0], [0], [1], [0, 0, 1, 1], [], []>, transpose_lhs_hint = false} : vector<64x1024xbf16>, vector<1024x1024xbf16>, vector<64x1024xf32> -> vector<64x1024xf32>
    %swap3A_20 = arith.constant 0 : index
    %swap3A_21 = arith.constant 0 : index
    %swap3A_22 = vector.load %arg3[%swap3A_20, %swap3A_21] : memref<64x1024xf32, #tpu.memory_space<vmem>>, vector<64x1024xf32>
    tpu.vector_store %arg3[%swap3A_20, %swap3A_21], %dot_general3A_19 {strides = array<i32>} : memref<64x1024xf32, #tpu.memory_space<vmem>>, vector<64x1024xf32>,
    %eq3A_23 = arith.constant 0 : i32
    %eq3A_24 = arith.cmpi eq, %arg0, %eq3A_23 : i32
    %convert_element_type3A_25 = arith.extui %eq3A_24 : i1 to i32
    %cond3A = arith.constant 0 : i32
    %cond3A_26 = arith.cmpi ne, %convert_element_type3A_25, %cond3A : i32
    scf.if %cond3A_26 {
      %swap3A_39 = arith.constant 0.000000e+00 : f32
      %swap3A_40 = arith.constant 0 : index
      %swap3A_41 = arith.constant 0 : index
      %swap3A_42 = memref.load %arg5[%swap3A_40, %swap3A_41] : memref<1x1xf32, #tpu.memory_space<smem>>
      memref.store %swap3A_39, %arg5[%swap3A_40, %swap3A_41] : memref<1x1xf32, #tpu.memory_space<smem>>
    } else {
    }
    %get3A_27 = arith.constant 0 : index
    %get3A_28 = arith.constant 0 : index
    %get3A_29 = memref.load %arg5[%get3A_27, %get3A_28] : memref<1x1xf32, #tpu.memory_space<smem>>
    %sub3A_30 = arith.subf %reshape3A, %dot_general3A_19 : vector<64x1024xf32>
    %integer_pow3A = arith.mulf %sub3A_30, %sub3A_30 : vector<64x1024xf32>
    %reduce_sum3A_31 = vector.shape_cast %integer_pow3A : vector<64x1024xf32> to vector<1x64x1024xf32>
    %reduce_sum3A_32 = arith.constant dense<0.000000e+00> : vector<1xf32>
    %reduce_sum3A_33 = vector.multi_reduction <add>, %reduce_sum3A_31, %reduce_sum3A_32 [1, 2] : vector<1x64x1024xf32> to vector<1xf32>
    %reduce_sum3A_34 = vector.shape_cast %reduce_sum3A_33 : vector<1xf32> to vector<1x1x1xf32>
    %reduce_sum3A_35 = vector.extract %reduce_sum3A_34[0, 0, 0] : f32 from vector<1x1x1xf32>
    %add3A = arith.addf %get3A_29, %reduce_sum3A_35 : f32
    %swap3A_36 = arith.constant 0 : index
    %swap3A_37 = arith.constant 0 : index
    %swap3A_38 = memref.load %arg5[%swap3A_36, %swap3A_37] : memref<1x1xf32, #tpu.memory_space<smem>>
    memref.store %add3A, %arg5[%swap3A_36, %swap3A_37] : memref<1x1xf32, #tpu.memory_space<smem>>
    return
  }
  func.func @transform_0(%arg0: i32) -> (i32, i32, i32) {
    %c0_i32 = arith.constant 0 : i32
    %c0_i32_0 = arith.constant 0 : i32
    %c0_i32_1 = arith.constant 0 : i32
    return %arg0, %c0_i32, %c0_i32_0 : i32, i32, i32
  }
  func.func @transform_1(%arg0: i32) -> (i32, i32) {
    %c0_i32 = arith.constant 0 : i32
    %c0_i32_0 = arith.constant 0 : i32
    %c0_i32_1 = arith.constant 0 : i32
    return %c0_i32, %c0_i32_0 : i32, i32
  }
  func.func @transform_2(%arg0: i32) -> (i32, i32) {
    %c0_i32 = arith.constant 0 : i32
    %c0_i32_0 = arith.constant 0 : i32
    return %c0_i32, %arg0 : i32, i32
  }
  func.func @transform_3(%arg0: i32) -> i32 {
    %c0_i32 = arith.constant 0 : i32
    return %arg0 : i32
  }
  func.func @transform_4(%arg0: i32) -> (i32, i32) {
    %c0_i32 = arith.constant 0 : i32
    %c0_i32_0 = arith.constant 0 : i32
    %c0_i32_1 = arith.constant 0 : i32
    return %c0_i32, %c0_i32_0 : i32, i32
  }
}

</mosaic_0001>

<sc_bundles>
// kernel: kernel.4.cloned.1.call-start
scs
__scs_entry_jumppad:
0x0: {  	(pc) =	sbr.rel $0x88, $3  }
0x1: {  	(tag) =	ssettag $0x0;
	lr =	simm.s32 $0x1  }
0x2: {  	[smem:$0x3F9F] =	sst lr;
	_ =	strace $0xD0000000  }
0x3: {  	_ = 	snop  }
0x4: {  	_ = 	snop  }
0x5: {  	_ = 	snop  }
0x6: {  	_ = 	snop  }
0x7: {  	_ = 	snop  }
__scs_overlays_trampoline_lowered:
0x8: {  	[smem:$0x3FAE] =	sst s0  }
0x9: {  	[smem:$0x3FAF] =	sst s1  }
0xa: {  	[smem:$0x3FB0] =	sst s2  }
0xb: {  	[smem:$0x3FB1] =	sst s3  }
0xc: {  	[smem:$0x3FB2] =	sst s4  }
0xd: {  	[smem:$0x3FB3] =	sst s5  }
0xe: {  	[smem:$0x3FB4] =	sst s6  }
0xf: {  	[smem:$0x3FB5] =	sst s7  }
0x10: {  	[smem:$0x3FB6] =	sst s8  }
0x11: {  	[smem:$0x3FB7] =	sst s9;
	s0 =	simm.s32 @!p0 $0x0  }
0x12: {  	s1 =	sld [smem:$0x3F9D];
	s0 =	simm.s32 @p0 $0x1  }
0x13: {  	[smem:$0x3FB8] =	sst s0;
	s0 =	simm.s32 @!p1 $0x0  }
0x14: {  	s2 =	sld [smem:$0x3F9C];
	s0 =	simm.s32 @p1 $0x1  }
0x15: {  	[smem:$0x3FB9] =	sst s0;
	s0 =	simm.s32 @!p2 $0x0  }
0x16: {  	s3 =	sld [smem:$0x3FDB];
	s0 =	simm.s32 @p2 $0x1  }
0x17: {  	s4 =	simm.s32 $0x1BF5;
	[smem:$0x3FBB] =	sst s0  }
0x18: {  	s0 =	sld [smem:$0x3F9E];
	_ =	swait.ge [sflag:s4], $0x0  }
0x19: {  	s7 =	sld [smem:$0x3F9F]  }
0x1a: {  	s8 =	sadd.s32 $0xFFFFE003, lr  }
0x1b: {  	s9 =	sadd.s32 $0xFFFFFEF7, lr;
	s5 =	simm.s32 $0xFFFFFFFF;
	p2 =	slt.u32 s8, $0xFFFFF086  }
0x1c: {  	p1 =	slt.u32 s9, $0xF7A;
	s5 =	simm.s32 @!p2 $0x0  }
0x1d: {  	s5 =	simm.s32 @p1 $0x1;
	p0 =	seq.s32 s7, s2  }
0x1e: {  	s7 =	smul.u32 @!p0 $0xF7A, s2;
	p2 =	seq.s32 @!p0 s5, $0x0  }
0x1f: {  	s9 =	smul.u32 $0xF7A, s1;
	s8 =	simm.s32 @!p0 $0x1BF5;
	p2 =	por !p2, p0  }
0x20: {  	[sflag:s8] =	ssyncset.s32 @!p0 $0xFFFFF086;
	s6 =	sadd.s32 @!p0 s3, s7;
	s7 =	simm.s32 @!p0 $0x108  }
0x21: {  	s3 =	sadd.s32 s3, s9;
	s6 =	sadd.s32 @!p0 $0x88, s6;
	s7 =	simm.s32 @p2 $0x1082  }
0x22: {  	[simem:s7], [sflag:s8] =	dma.local @!p0 [hbm:s6], $0xF7A  }
0x23: {  	s9 =	sor.u32 $0xD0000000, s2;
	s6 =	simm.s32 $0x108;
	_ =	swait.ge @!p0 [sflag:s8], $0x0  }
0x24: {  	s3 =	sadd.s32 $0x88, s3;
	s6 =	simm.s32 @!p1 $0x1082;
	[sflag:s4] =	ssyncset.s32 $0xFFFFF086  }
0x25: {  	[simem:s6], [sflag:s4] =	dma.local [hbm:s3], $0xF7A  }
0x26: {  	[smem:$0x3F9F] =	sst s1;
	(tag) =	ssettag s2;
	_ =	strace s9  }
0x27: {  	s1 =	sld [smem:$0x3FAF]  }
0x28: {  	s2 =	sld [smem:$0x3FB0]  }
0x29: {  	s4 =	sld [smem:$0x3FB2]  }
0x2a: {  	p0 =	seq.s32 s5, $0x0;
	s5 =	sld [smem:$0x3FB3]  }
0x2b: {  	s6 =	sld [smem:$0x3FB4]  }
0x2c: {  	s7 =	sld [smem:$0x3FB5]  }
0x2d: {  	s3 =	simm.s32 $0x108;
	s8 =	sld [smem:$0x3FB6]  }
0x2e: {  	s3 =	simm.s32 @!p0 $0x1082;
	s9 =	sld [smem:$0x3FB7]  }
0x2f: {  	lr =	sadd.s32 s0, s3;
	s0 =	sld [smem:$0x3FAE]  }
0x30: {  	s3 =	sld [smem:$0x3FB1]  }
0x31: {  	[smem:$0x3FBA] =	sst s10  }
0x32: {  	s10 =	sld [smem:$0x3FB8];
	_ =	sdelay $0x3  }
0x33: {  	p0 =	seq.s32 s10, $0x1;
	s10 =	sld [smem:$0x3FBA];
	_ =	sdelay $0x3  }
0x34: {  	[smem:$0x3FBA] =	sst s10  }
0x35: {  	s10 =	sld [smem:$0x3FB9];
	_ =	sdelay $0x3  }
0x36: {  	p1 =	seq.s32 s10, $0x1;
	s10 =	sld [smem:$0x3FBA];
	_ =	sdelay $0x3  }
0x37: {  	[smem:$0x3FBA] =	sst s10  }
0x38: {  	s10 =	sld [smem:$0x3FBB]  }
0x39: {  	_ = 	snop;
	(pc) =	sbr.ind lr, $3  }
0x3a: {  	_ = 	snop  }
0x3b: {  	_ = 	snop  }
0x3c: {  	p2 =	seq.s32 s10, $0x1;
	s10 =	sld [smem:$0x3FBA]  }
0x3d: {  	_ =	shalt  }
0x3e: {  	_ =	shalt  }
0x3f: {  	_ =	shalt  }
0x40: {  	_ =	shalt  }
0x41: {  	_ =	shalt  }
0x42: {  	_ =	shalt  }
0x43: {  	_ =	shalt  }
0x44: {  	_ =	shalt  }
0x45: {  	_ =	shalt  }
0x46: {  	_ =	shalt  }
0x47: {  	_ =	shalt  }
0x48: {  	_ =	shalt  }
0x49: {  	_ =	shalt  }
0x4a: {  	_ =	shalt  }
0x4b: {  	_ =	shalt  }
0x4c: {  	_ =	shalt  }
0x4d: {  	_ =	shalt  }
0x4e: {  	_ =	shalt  }
0x4f: {  	_ =	shalt  }
0x50: {  	_ =	shalt  }
0x51: {  	_ =	shalt  }
0x52: {  	_ =	shalt  }
0x53: {  	_ =	shalt  }
0x54: {  	_ =	shalt  }
0x55: {  	_ =	shalt  }
0x56: {  	_ =	shalt  }
0x57: {  	_ =	shalt  }
0x58: {  	_ =	shalt  }
0x59: {  	_ =	shalt  }
0x5a: {  	_ =	shalt  }
0x5b: {  	_ =	shalt  }
0x5c: {  	_ =	shalt  }
0x5d: {  	_ =	shalt  }
0x5e: {  	_ =	shalt  }
0x5f: {  	_ =	shalt  }
0x60: {  	_ =	shalt  }
0x61: {  	_ =	shalt  }
0x62: {  	_ =	shalt  }
0x63: {  	_ =	shalt  }
0x64: {  	_ =	shalt  }
0x65: {  	_ =	shalt  }
0x66: {  	_ =	shalt  }
0x67: {  	_ =	shalt  }
0x68: {  	_ =	shalt  }
0x69: {  	_ =	shalt  }
0x6a: {  	_ =	shalt  }
0x6b: {  	_ =	shalt  }
0x6c: {  	_ =	shalt  }
0x6d: {  	_ =	shalt  }
0x6e: {  	_ =	shalt  }
0x6f: {  	_ =	shalt  }
0x70: {  	_ =	shalt  }
0x71: {  	_ =	shalt  }
0x72: {  	_ =	shalt  }
0x73: {  	_ =	shalt  }
0x74: {  	_ =	shalt  }
0x75: {  	_ =	shalt  }
0x76: {  	_ =	shalt  }
0x77: {  	_ =	shalt  }
0x78: {  	_ =	shalt  }
0x79: {  	_ =	shalt  }
0x7a: {  	_ =	shalt  }
0x7b: {  	_ =	shalt  }
0x7c: {  	_ =	shalt  }
0x7d: {  	_ =	shalt  }
0x7e: {  	_ =	shalt  }
0x7f: {  	_ =	shalt  }
0x80: {  	_ =	shalt  }
0x81: {  	_ =	shalt  }
0x82: {  	_ =	shalt  }
0x83: {  	_ =	shalt  }
0x84: {  	_ =	shalt  }
0x85: {  	_ =	shalt  }
0x86: {  	_ =	shalt  }
0x87: {  	_ =	shalt  }
.Lfunc_end0:
.L_simem_size_0:
called_computation_lowered:
.L_overlay_start_0:
0x88: {  	s2 =	sld [smem:$0x3FD9]  }
0x89: {  	s3 =	sld [smem:$0x3FFE];
	_ =	sdelay $0x1  }
0x8a: {  	s1 =	srdreg.scid  }
0x8b: {  	s0 =	sand.u32 $0x1, s1  }
0x8c: {  	s14 =	sshll.u32 s0, $0xA;
	s2 =	sadd.s32 s3, s2  }
0x8d: {  	s2 =	sadd.s32 s2, s14  }
0x8e: {  	[smem:$0x3FC6] =	sst s2  }
0x8f: {  	_ = 	snop  }
0x90: {  	s2 =	sld [smem:$0x3FD0];
	_ =	sdelay $0x2  }
0x91: {  	s15 =	simm.s32 $0xA;
	s4 =	simm.s32 $0x10  }
0x92: {  	[smem:s4], [sflag:s15] =	dma.local [hbm:s2], $0x1  }
0x93: {  	_ =	swait.eq [sflag:s15], $0x1  }
0x94: {  	[sflag:s15] =	ssyncset.done $0x0  }
0x95: {  	[sflag:s15] =	ssyncadd.s32 $0xFFFFFFFF  }
0x96: {  	s16 =	sld [smem:$0x12];
	(tm) =	ssettm $0x1  }
0x97: {  	s17 =	sld [smem:$0x3FFB];
	_ =	sdelay $0x3  }
0x98: {  	_ =	strace s17  }
0x99: {  	s3 =	sld [smem:$0x3FFC];
	_ =	sdelay $0x3  }
0x9a: {  	_ =	strace s3  }
0x9b: {  	s3 =	sld [smem:$0x3FFD];
	_ =	sdelay $0x3  }
0x9c: {  	_ =	strace s3  }
0x9d: {  	_ =	strace $0x8FFFFFFF  }
0x9e: {  	s18 =	sld [smem:$0x3FDB];
	_ =	sdelay $0x1  }
0x9f: {  	s19 =	simm.s32 $_scs_section_size  }
0xa0: {  	s5 =	simm.s32 $_size__tile_overlayer_lowered;
	s6 =	simm.s32 $_tile_overlayer_lowered  }
0xa1: {  	s22 =	simm.s32 $0x1BFF;
	s21 =	sshll.u32 s6, $0x1;
	s3 =	sadd.s32 s19, s18  }
0xa2: {  	s7 =	simm.s32 $0x0;
	s20 =	sshll.u32 s5, $0x1;
	s5 =	sadd.s32 s21, s3  }
0xa3: {  	[timem:s7], [sflag:s22] =	dma.local [hbm:s5], s20  }
0xa4: {  	_ =	swait.ge [sflag:s22], s20  }
0xa5: {  	s4 =	ssub.s32 $0x0, s20;
	[sflag:s22] =	ssyncset.done $0x0  }
0xa6: {  	[sflag:s22] =	ssyncadd.s32 s4;
	_ =	sdelay $0x1  }
0xa7: {  	s23 =	simm.s32 $0x1B8B  }
0xa8: {  	_ =	swait.ge [sflag:s23], $0x1  }
0xa9: {  	[sflag:s23] =	ssyncset.done $0x0  }
0xaa: {  	s25 =	simm.s32 $0x1B8E;
	s24 =	sld [smem:$0x3FFE];
	[sflag:s23] =	ssyncadd.s32 $0xFFFFFFFF  }
0xab: {  	s26 =	simm.s32 $execute0_lowered;
	[smem:$0x3FD2] =	sst s25  }
0xac: {  	s5 =	sshll.u32 s26, $0x1;
	_ =	strace $0x80000046;
	[dreg:$0x1] =	wrdreg $0xFFFFFFFF  }
0xad: {  	s28 =	simm.s32 $_size_execute0_lowered;
	s3 =	sadd.s32 s3, s5;
	[dreg:$0x0] =	wrdreg $0x0  }
0xae: {  	s5 =	sshll.u32 s28, $0x1;
	[dreg:$0x2] =	wrdreg s3  }
0xaf: {  	[dreg:$0x3] =	wrdreg s5  }
0xb0: {  	[dreg:$0x4] =	wrdreg $0xC0  }
0xb1: {  	_ =	task [dreg:s7], $0x5FFFF  }
0xb2: {  	[dreg:$0x1] =	wrdreg $0xFFFFFFFF  }
0xb3: {  	[dreg:$0x0] =	wrdreg $0x60  }
0xb4: {  	[dreg:$0x2] =	wrdreg s24  }
0xb5: {  	[dreg:$0x3] =	wrdreg s16  }
0xb6: {  	[dreg:$0x4] =	wrdreg $0x9  }
0xb7: {  	_ =	task.clear_ibuf [dreg:s7], $0x5FFFF;
	_ =	strace $0x90000046  }
0xb8: {  	s29 =	simm.s32 $0x9;
	_ =	strace $0x80000048  }
0xb9: {  	_ =	swait.ge [sflag:s29], $0x1  }
0xba: {  	[sflag:s29] =	ssyncadd.s32 $0xFFFFFFFF  }
0xbb: {  	_ =	strace $0x90000048  }
0xbc: {  	_ =	sfence  }
0xbd: {  	s30 =	sld [smem:$0x0];
	_ =	sdelay $0x2  }
0xbe: {  	s31 =	sshll.u32 s1, $0xD;
	s1 =	sshrl.u32 s1, $0x2  }
0xbf: {  	s3 =	sand.u32 $0x4000, s31;
	s1 =	sadd.s32 s1, s30  }
0xc0: {  	s0 =	sor.u32 s3, s0;
	s1 =	sshll.u32 s1, $0x11  }
0xc1: {  	s0 =	sor.u32 s1, s0  }
0xc2: {  	s0 =	sadd.s32 $0x8F2B, s0  }
0xc3: {  	[sflag:s0] =	ssyncadd.remote.s32 $0x1  }
0xc4: {  	_ =	sfence.sel $0xFFFF  }
0xc5: {  	[dreg:$0x0] =	wrdreg $0xFFFFFFFF;
	(pc) =	sbr.abs _section_cstart, $3  }
0xc6: {  	[dreg:$0x1] =	wrdreg $0xFFFFFFFF  }
0xc7: {  	_ =	task.clear_ibuf [dreg:s7], $0x2FFFF;
	_ =	strace $0x9FFFFFFF  }
0xc8: {  	(tm) =	ssettm $0x7FFFFFFF  }
0xc9: {  	_ =	shalt  }
tec
execute0_lowered:
.L_overlay_start_1:
0x0: {  	(tag) =	ssettag $0x1  }
0x1: {  	s1 =	rddreg [dreg:$0x0]  }
0x2: {  	s0 =	srdreg.scid;
	s3 =	rddreg [dreg:$0x1]  }
0x3: {  	s5 =	stileid.u32;
	s2 =	simm.s32 $0x0;
	s15 =	simm.s32 $0x80  }
0x4: {  	s12 =	simm.s32 $0x800;
	s11 =	simm.s32 $0x4800;
	s30 =	simm.s32 $0x100  }
0x5: {  	s10 =	simm.s32 $0x8800;
	s31 =	simm.s32 $0x180;
	s13 =	simm.s32 $0x1  }
0x6: {  	s28 =	simm.s32 $0x300;
	s29 =	simm.s32 $0x380;
	s0 =	sand.u32 $0x1, s0  }
0x7: {  	p0 =	por $0x0, $0x0;
	[smem:$0x7FF] =	sst s2;
	s4 =	sshll.u32 s0, $0x4  }
0x8: {  	s7 =	sadd.s32 $0x800, s1;
	_ =	strace $0x80000047;
	s4 =	sor.u32 s5, s4  }
0x9: {  	s0 =	ssub.s32 $0x2, s0;
	s5 =	sshll.u32 s4, $0xF;
	s4 =	sshll.u32 s4, $0x8  }
0xa: {  	s24 =	sshrl.u32 s0, $0x1;
	s9 =	sadd.s32 s5, s1;
	s3 =	sadd.s32 s3, s4  }
0xb: {  	s0 =	ssub.s32 s0, s24;
	[dreg:$0x3] =	wrdreg s3;
	s16 =	sadd.s32 $0x4800, s9  }
0xc: {  	s24 =	simm.s32 $0x580;
	s17 =	sadd.s32 $0x5000, s9;
	[dreg:$0x4] =	wrdreg s16  }
0xd: {  	s0 =	smax.u32 s0, $0x1;
	s18 =	sadd.s32 $0x5800, s9;
	[dreg:$0x5] =	wrdreg s17  }
0xe: {  	s19 =	sadd.s32 $0x6000, s9;
	s20 =	sadd.s32 $0x6800, s9;
	[dreg:$0x6] =	wrdreg s18  }
0xf: {  	s21 =	sadd.s32 $0x7000, s9;
	s22 =	sadd.s32 $0x7800, s9;
	[dreg:$0x7] =	wrdreg s19  }
0x10: {  	s23 =	sadd.s32 $0x8000, s9;
	s25 =	sadd.s32 $0x8800, s9;
	[dreg:$0x8] =	wrdreg s20  }
0x11: {  	s26 =	sadd.s32 $0x9000, s9;
	s14 =	sadd.s32 $0xA000, s9;
	[dreg:$0x9] =	wrdreg s21  }
0x12: {  	s8 =	sadd.s32 $0xA800, s9;
	s6 =	sadd.s32 $0xB000, s9;
	[dreg:$0xa] =	wrdreg s22  }
0x13: {  	s5 =	sadd.s32 $0xB800, s9;
	s4 =	sadd.s32 $0xC000, s9;
	[dreg:$0xb] =	wrdreg s23  }
0x14: {  	s3 =	simm.s32 $0x2;
	p1 =	sne.s32 s0, $0x1;
	[dreg:$0xc] =	wrdreg s25  }
.Ltmp0:
0x15: {  	s0 =	sadd.s32 $0xFFFFFFFF, s0;
	[dreg:$0xd] =	wrdreg s26;
	(pc) =	sbr.rel @!p1 .LBB2_3-.Ltmp0, $4  }
0x16: {  	s16 =	sadd.s32 $0x9800, s9;
	s9 =	simm.s32 $0xC800;
	s25 =	simm.s32 $0x200  }
0x17: {  	s26 =	simm.s32 $0x280;
	s21 =	simm.s32 $0x400;
	s22 =	simm.s32 $0x480  }
0x18: {  	s23 =	simm.s32 $0x500;
	s17 =	simm.s32 $0x600;
	s18 =	simm.s32 $0x680  }
0x19: {  	s19 =	simm.s32 $0x700;
	s20 =	simm.s32 $0x780;
	s1 =	rddreg [dreg:$0x3]  }
0x1a: {  	[tilespmem:s2], [sflag:$0x2] =	stream.linear.gather [hbm4b:s1+s2], $0x800, $0x38;
	[tilespmem:$0x10800] =	vst v63  }
0x1b: {  	_ =	swait.ge [sflag:s3], $0x800  }
0x1c: {  	[sflag:s3] =	ssyncset.done $0x0  }
0x1d: {  	[sflag:s3] =	ssyncadd.s32 $0xFFFFF800  }
0x1e: {  	[tilespmem:s12], [sflag:$0x1] =	stream.indirect.gather [hbm4b:s7+s15], $0x80, s2, s15, $0xb8;
	[tilespmem:$0x10800] =	vst v63  }
0x1f: {  	_ = 	snop  }
0x20: {  	[tilespmem:s11], [sflag:$0x1] =	stream.indirect.gather [hbm4b:s7+s15], $0x80, s15, s15, $0xb8;
	[tilespmem:$0x10800] =	vst v63  }
0x21: {  	_ = 	snop  }
0x22: {  	[tilespmem:s10], [sflag:$0x1] =	stream.indirect.gather [hbm4b:s7+s15], $0x80, s30, s15, $0xb8;
	[tilespmem:$0x10800] =	vst v63  }
0x23: {  	_ = 	snop  }
0x24: {  	[tilespmem:s9], [sflag:$0x1] =	stream.indirect.gather [hbm4b:s7+s15], $0x80, s31, s15, $0xb8;
	[tilespmem:$0x10800] =	vst v63  }
0x25: {  	_ =	swait.ge [sflag:s13], $0x4000  }
0x26: {  	[sflag:s13] =	ssyncset.done $0x0  }
0x27: {  	[sflag:s13] =	ssyncadd.s32 $0xFFFFC000  }
0x28: {  	_ =	swait.ge [sflag:s13], $0x4000  }
0x29: {  	[sflag:s13] =	ssyncset.done $0x0  }
0x2a: {  	[sflag:s13] =	ssyncadd.s32 $0xFFFFC000  }
0x2b: {  	_ =	swait.ge [sflag:s13], $0x4000  }
0x2c: {  	[sflag:s13] =	ssyncset.done $0x0  }
0x2d: {  	[sflag:s13] =	ssyncadd.s32 $0xFFFFC000  }
0x2e: {  	_ =	swait.ge [sflag:s13], $0x4000  }
0x2f: {  	[sflag:s13] =	ssyncset.done $0x0  }
0x30: {  	s1 =	rddreg [dreg:$0x4];
	[sflag:s13] =	ssyncadd.s32 $0xFFFFC000  }
0x31: {  	[hbm4b:s1+s2] =	stream.linear.scatter [tilespmem:s12], [sflag:$0x2], $0x4000, $0x38;
	[tilespmem:$0x10800] =	vst v63  }
0x32: {  	_ =	swait.ge [sflag:s3], $0x4000  }
0x33: {  	[sflag:s3] =	ssyncset.done $0x0  }
0x34: {  	s1 =	rddreg [dreg:$0x5];
	[sflag:s3] =	ssyncadd.s32 $0xFFFFC000  }
0x35: {  	[hbm4b:s1+s2] =	stream.linear.scatter [tilespmem:s11], [sflag:$0x2], $0x4000, $0x38;
	[tilespmem:$0x10800] =	vst v63  }
0x36: {  	_ =	swait.ge [sflag:s3], $0x4000  }
0x37: {  	[sflag:s3] =	ssyncset.done $0x0  }
0x38: {  	s1 =	rddreg [dreg:$0x6];
	[sflag:s3] =	ssyncadd.s32 $0xFFFFC000  }
0x39: {  	[hbm4b:s1+s2] =	stream.linear.scatter [tilespmem:s10], [sflag:$0x2], $0x4000, $0x38;
	[tilespmem:$0x10800] =	vst v63  }
0x3a: {  	_ =	swait.ge [sflag:s3], $0x4000  }
0x3b: {  	[sflag:s3] =	ssyncset.done $0x0  }
0x3c: {  	s1 =	rddreg [dreg:$0x7];
	[sflag:s3] =	ssyncadd.s32 $0xFFFFC000  }
0x3d: {  	[hbm4b:s1+s2] =	stream.linear.scatter [tilespmem:s9], [sflag:$0x2], $0x4000, $0x38;
	[tilespmem:$0x10800] =	vst v63  }
0x3e: {  	_ =	swait.ge [sflag:s3], $0x4000  }
0x3f: {  	[sflag:s3] =	ssyncset.done $0x0  }
0x40: {  	[sflag:s3] =	ssyncadd.s32 $0xFFFFC000  }
0x41: {  	[tilespmem:s12], [sflag:$0x1] =	stream.indirect.gather [hbm4b:s7+s15], $0x80, s25, s15, $0xb8;
	[tilespmem:$0x10800] =	vst v63  }
0x42: {  	_ = 	snop  }
0x43: {  	[tilespmem:s11], [sflag:$0x1] =	stream.indirect.gather [hbm4b:s7+s15], $0x80, s26, s15, $0xb8;
	[tilespmem:$0x10800] =	vst v63  }
0x44: {  	_ = 	snop  }
0x45: {  	[tilespmem:s10], [sflag:$0x1] =	stream.indirect.gather [hbm4b:s7+s15], $0x80, s28, s15, $0xb8;
	[tilespmem:$0x10800] =	vst v63  }
0x46: {  	_ = 	snop  }
0x47: {  	[tilespmem:s9], [sflag:$0x1] =	stream.indirect.gather [hbm4b:s7+s15], $0x80, s29, s15, $0xb8;
	[tilespmem:$0x10800] =	vst v63  }
0x48: {  	_ =	swait.ge [sflag:s13], $0x4000  }
0x49: {  	[sflag:s13] =	ssyncset.done $0x0  }
0x4a: {  	[sflag:s13] =	ssyncadd.s32 $0xFFFFC000  }
0x4b: {  	_ =	swait.ge [sflag:s13], $0x4000  }
0x4c: {  	[sflag:s13] =	ssyncset.done $0x0  }
0x4d: {  	[sflag:s13] =	ssyncadd.s32 $0xFFFFC000  }
0x4e: {  	_ =	swait.ge [sflag:s13], $0x4000  }
0x4f: {  	[sflag:s13] =	ssyncset.done $0x0  }
0x50: {  	[sflag:s13] =	ssyncadd.s32 $0xFFFFC000  }
0x51: {  	_ =	swait.ge [sflag:s13], $0x4000  }
0x52: {  	[sflag:s13] =	ssyncset.done $0x0  }
0x53: {  	s1 =	rddreg [dreg:$0x8];
	[sflag:s13] =	ssyncadd.s32 $0xFFFFC000  }
0x54: {  	[hbm4b:s1+s2] =	stream.linear.scatter [tilespmem:s12], [sflag:$0x2], $0x4000, $0x38;
	[tilespmem:$0x10800] =	vst v63  }
0x55: {  	_ =	swait.ge [sflag:s3], $0x4000  }
0x56: {  	[sflag:s3] =	ssyncset.done $0x0  }
0x57: {  	s1 =	rddreg [dreg:$0x9];
	[sflag:s3] =	ssyncadd.s32 $0xFFFFC000  }
0x58: {  	[hbm4b:s1+s2] =	stream.linear.scatter [tilespmem:s11], [sflag:$0x2], $0x4000, $0x38;
	[tilespmem:$0x10800] =	vst v63  }
0x59: {  	_ =	swait.ge [sflag:s3], $0x4000  }
0x5a: {  	[sflag:s3] =	ssyncset.done $0x0  }
0x5b: {  	s1 =	rddreg [dreg:$0xa];
	[sflag:s3] =	ssyncadd.s32 $0xFFFFC000  }
0x5c: {  	[hbm4b:s1+s2] =	stream.linear.scatter [tilespmem:s10], [sflag:$0x2], $0x4000, $0x38;
	[tilespmem:$0x10800] =	vst v63  }
0x5d: {  	_ =	swait.ge [sflag:s3], $0x4000  }
0x5e: {  	[sflag:s3] =	ssyncset.done $0x0  }
0x5f: {  	s1 =	rddreg [dreg:$0xb];
	[sflag:s3] =	ssyncadd.s32 $0xFFFFC000  }
0x60: {  	[hbm4b:s1+s2] =	stream.linear.scatter [tilespmem:s9], [sflag:$0x2], $0x4000, $0x38;
	[tilespmem:$0x10800] =	vst v63  }
0x61: {  	_ =	swait.ge [sflag:s3], $0x4000  }
0x62: {  	[sflag:s3] =	ssyncset.done $0x0  }
0x63: {  	[sflag:s3] =	ssyncadd.s32 $0xFFFFC000  }
0x64: {  	[tilespmem:s12], [sflag:$0x1] =	stream.indirect.gather [hbm4b:s7+s15], $0x80, s21, s15, $0xb8;
	[tilespmem:$0x10800] =	vst v63  }
0x65: {  	_ = 	snop  }
0x66: {  	[tilespmem:s11], [sflag:$0x1] =	stream.indirect.gather [hbm4b:s7+s15], $0x80, s22, s15, $0xb8;
	[tilespmem:$0x10800] =	vst v63  }
0x67: {  	_ = 	snop  }
0x68: {  	[tilespmem:s10], [sflag:$0x1] =	stream.indirect.gather [hbm4b:s7+s15], $0x80, s23, s15, $0xb8;
	[tilespmem:$0x10800] =	vst v63  }
0x69: {  	_ = 	snop  }
0x6a: {  	[tilespmem:s9], [sflag:$0x1] =	stream.indirect.gather [hbm4b:s7+s15], $0x80, s24, s15, $0xb8;
	[tilespmem:$0x10800] =	vst v63  }
0x6b: {  	_ =	swait.ge [sflag:s13], $0x4000  }
0x6c: {  	[sflag:s13] =	ssyncset.done $0x0  }
0x6d: {  	[sflag:s13] =	ssyncadd.s32 $0xFFFFC000  }
0x6e: {  	_ =	swait.ge [sflag:s13], $0x4000  }
0x6f: {  	[sflag:s13] =	ssyncset.done $0x0  }
0x70: {  	[sflag:s13] =	ssyncadd.s32 $0xFFFFC000  }
0x71: {  	_ =	swait.ge [sflag:s13], $0x4000  }
0x72: {  	[sflag:s13] =	ssyncset.done $0x0  }
0x73: {  	[sflag:s13] =	ssyncadd.s32 $0xFFFFC000  }
0x74: {  	_ =	swait.ge [sflag:s13], $0x4000  }
0x75: {  	[sflag:s13] =	ssyncset.done $0x0  }
0x76: {  	s1 =	rddreg [dreg:$0xc];
	[sflag:s13] =	ssyncadd.s32 $0xFFFFC000  }
0x77: {  	[hbm4b:s1+s2] =	stream.linear.scatter [tilespmem:s12], [sflag:$0x2], $0x4000, $0x38;
	[tilespmem:$0x10800] =	vst v63  }
0x78: {  	_ =	swait.ge [sflag:s3], $0x4000  }
0x79: {  	[sflag:s3] =	ssyncset.done $0x0  }
0x7a: {  	s1 =	rddreg [dreg:$0xd];
	[sflag:s3] =	ssyncadd.s32 $0xFFFFC000  }
0x7b: {  	[hbm4b:s1+s2] =	stream.linear.scatter [tilespmem:s11], [sflag:$0x2], $0x4000, $0x38;
	[tilespmem:$0x10800] =	vst v63  }
0x7c: {  	_ =	swait.ge [sflag:s3], $0x4000  }
0x7d: {  	[sflag:s3] =	ssyncset.done $0x0  }
0x7e: {  	[sflag:s3] =	ssyncadd.s32 $0xFFFFC000  }
0x7f: {  	[hbm4b:s16+s2] =	stream.linear.scatter [tilespmem:s10], [sflag:$0x2], $0x4000, $0x38;
	[tilespmem:$0x10800] =	vst v63  }
0x80: {  	_ =	swait.ge [sflag:s3], $0x4000  }
0x81: {  	[sflag:s3] =	ssyncset.done $0x0  }
0x82: {  	[sflag:s3] =	ssyncadd.s32 $0xFFFFC000  }
0x83: {  	[hbm4b:s14+s2] =	stream.linear.scatter [tilespmem:s9], [sflag:$0x2], $0x4000, $0x38;
	[tilespmem:$0x10800] =	vst v63  }
0x84: {  	_ =	swait.ge [sflag:s3], $0x4000  }
0x85: {  	[sflag:s3] =	ssyncset.done $0x0  }
0x86: {  	[sflag:s3] =	ssyncadd.s32 $0xFFFFC000  }
0x87: {  	[tilespmem:s12], [sflag:$0x1] =	stream.indirect.gather [hbm4b:s7+s15], $0x80, s17, s15, $0xb8;
	[tilespmem:$0x10800] =	vst v63  }
0x88: {  	_ = 	snop  }
0x89: {  	[tilespmem:s11], [sflag:$0x1] =	stream.indirect.gather [hbm4b:s7+s15], $0x80, s18, s15, $0xb8;
	[tilespmem:$0x10800] =	vst v63  }
0x8a: {  	_ = 	snop  }
0x8b: {  	[tilespmem:s10], [sflag:$0x1] =	stream.indirect.gather [hbm4b:s7+s15], $0x80, s19, s15, $0xb8;
	[tilespmem:$0x10800] =	vst v63  }
0x8c: {  	_ = 	snop  }
0x8d: {  	[tilespmem:s9], [sflag:$0x1] =	stream.indirect.gather [hbm4b:s7+s15], $0x80, s20, s15, $0xb8;
	[tilespmem:$0x10800] =	vst v63  }
0x8e: {  	_ =	swait.ge [sflag:s13], $0x4000  }
0x8f: {  	[sflag:s13] =	ssyncset.done $0x0  }
0x90: {  	[sflag:s13] =	ssyncadd.s32 $0xFFFFC000  }
0x91: {  	_ =	swait.ge [sflag:s13], $0x4000  }
0x92: {  	[sflag:s13] =	ssyncset.done $0x0  }
0x93: {  	[sflag:s13] =	ssyncadd.s32 $0xFFFFC000  }
0x94: {  	_ =	swait.ge [sflag:s13], $0x4000  }
0x95: {  	[sflag:s13] =	ssyncset.done $0x0  }
0x96: {  	[sflag:s13] =	ssyncadd.s32 $0xFFFFC000  }
0x97: {  	_ =	swait.ge [sflag:s13], $0x4000  }
0x98: {  	[sflag:s13] =	ssyncset.done $0x0  }
0x99: {  	[sflag:s13] =	ssyncadd.s32 $0xFFFFC000  }
0x9a: {  	[hbm4b:s8+s2] =	stream.linear.scatter [tilespmem:s12], [sflag:$0x2], $0x4000, $0x38;
	[tilespmem:$0x10800] =	vst v63  }
0x9b: {  	_ =	swait.ge [sflag:s3], $0x4000  }
0x9c: {  	[sflag:s3] =	ssyncset.done $0x0  }
0x9d: {  	[sflag:s3] =	ssyncadd.s32 $0xFFFFC000  }
0x9e: {  	[hbm4b:s6+s2] =	stream.linear.scatter [tilespmem:s11], [sflag:$0x2], $0x4000, $0x38;
	[tilespmem:$0x10800] =	vst v63  }
0x9f: {  	_ =	swait.ge [sflag:s3], $0x4000  }
0xa0: {  	[sflag:s3] =	ssyncset.done $0x0  }
0xa1: {  	[sflag:s3] =	ssyncadd.s32 $0xFFFFC000  }
0xa2: {  	[hbm4b:s5+s2] =	stream.linear.scatter [tilespmem:s10], [sflag:$0x2], $0x4000, $0x38;
	[tilespmem:$0x10800] =	vst v63  }
0xa3: {  	p1 =	sne.s32 s0, $0x1;
	_ =	swait.ge [sflag:s3], $0x4000  }
.Ltmp1:
0xa4: {  	[sflag:s3] =	ssyncset.done $0x0;
	(pc) =	sbr.rel @!p1 .LBB2_3-.Ltmp1, $4  }
0xa5: {  	[sflag:s3] =	ssyncadd.s32 $0xFFFFC000  }
0xa6: {  	[hbm4b:s4+s2] =	stream.linear.scatter [tilespmem:s9], [sflag:$0x2], $0x4000, $0x38;
	[tilespmem:$0x10800] =	vst v63  }
0xa7: {  	s0 =	sadd.s32 $0xFFFFFFFF, s0;
	_ =	swait.ge [sflag:s3], $0x4000  }
0xa8: {  	p0 =	por $0x1, $0x1;
	s1 =	rddreg [dreg:$0x3];
	[sflag:s3] =	ssyncset.done $0x0  }
.LBB2_2:
0xa9: {  	[sflag:s3] =	ssyncadd.s32 $0xFFFFC000  }
0xaa: {  	[tilespmem:s2], [sflag:$0x2] =	stream.linear.gather [hbm4b:s1+s2], $0x800, $0x38;
	[tilespmem:$0x10800] =	vst v63  }
0xab: {  	_ =	swait.ge [sflag:s3], $0x800  }
0xac: {  	[sflag:s3] =	ssyncset.done $0x0  }
0xad: {  	[sflag:s3] =	ssyncadd.s32 $0xFFFFF800  }
0xae: {  	[tilespmem:s12], [sflag:$0x1] =	stream.indirect.gather [hbm4b:s7+s15], $0x80, s2, s15, $0xb8;
	[tilespmem:$0x10800] =	vst v63  }
0xaf: {  	_ = 	snop  }
0xb0: {  	[tilespmem:s11], [sflag:$0x1] =	stream.indirect.gather [hbm4b:s7+s15], $0x80, s15, s15, $0xb8;
	[tilespmem:$0x10800] =	vst v63  }
0xb1: {  	_ = 	snop  }
0xb2: {  	[tilespmem:s10], [sflag:$0x1] =	stream.indirect.gather [hbm4b:s7+s15], $0x80, s30, s15, $0xb8;
	[tilespmem:$0x10800] =	vst v63  }
0xb3: {  	_ = 	snop  }
0xb4: {  	[tilespmem:s9], [sflag:$0x1] =	stream.indirect.gather [hbm4b:s7+s15], $0x80, s31, s15, $0xb8;
	[tilespmem:$0x10800] =	vst v63  }
0xb5: {  	_ =	swait.ge [sflag:s13], $0x4000  }
0xb6: {  	[sflag:s13] =	ssyncset.done $0x0  }
0xb7: {  	[sflag:s13] =	ssyncadd.s32 $0xFFFFC000  }
0xb8: {  	_ =	swait.ge [sflag:s13], $0x4000  }
0xb9: {  	[sflag:s13] =	ssyncset.done $0x0  }
0xba: {  	[sflag:s13] =	ssyncadd.s32 $0xFFFFC000  }
0xbb: {  	_ =	swait.ge [sflag:s13], $0x4000  }
0xbc: {  	[sflag:s13] =	ssyncset.done $0x0  }
0xbd: {  	[sflag:s13] =	ssyncadd.s32 $0xFFFFC000  }
0xbe: {  	_ =	swait.ge [sflag:s13], $0x4000  }
0xbf: {  	[sflag:s13] =	ssyncset.done $0x0  }
0xc0: {  	s1 =	rddreg [dreg:$0x4];
	[sflag:s13] =	ssyncadd.s32 $0xFFFFC000  }
0xc1: {  	[hbm4b:s1+s2] =	stream.linear.scatter [tilespmem:s12], [sflag:$0x2], $0x4000, $0x38;
	[tilespmem:$0x10800] =	vst v63  }
0xc2: {  	_ =	swait.ge [sflag:s3], $0x4000  }
0xc3: {  	[sflag:s3] =	ssyncset.done $0x0  }
0xc4: {  	s1 =	rddreg [dreg:$0x5];
	[sflag:s3] =	ssyncadd.s32 $0xFFFFC000  }
0xc5: {  	[hbm4b:s1+s2] =	stream.linear.scatter [tilespmem:s11], [sflag:$0x2], $0x4000, $0x38;
	[tilespmem:$0x10800] =	vst v63  }
0xc6: {  	_ =	swait.ge [sflag:s3], $0x4000  }
0xc7: {  	[sflag:s3] =	ssyncset.done $0x0  }
0xc8: {  	s1 =	rddreg [dreg:$0x6];
	[sflag:s3] =	ssyncadd.s32 $0xFFFFC000  }
0xc9: {  	[hbm4b:s1+s2] =	stream.linear.scatter [tilespmem:s10], [sflag:$0x2], $0x4000, $0x38;
	[tilespmem:$0x10800] =	vst v63  }
0xca: {  	_ =	swait.ge [sflag:s3], $0x4000  }
0xcb: {  	[sflag:s3] =	ssyncset.done $0x0  }
0xcc: {  	s1 =	rddreg [dreg:$0x7];
	[sflag:s3] =	ssyncadd.s32 $0xFFFFC000  }
0xcd: {  	[hbm4b:s1+s2] =	stream.linear.scatter [tilespmem:s9], [sflag:$0x2], $0x4000, $0x38;
	[tilespmem:$0x10800] =	vst v63  }
0xce: {  	_ =	swait.ge [sflag:s3], $0x4000  }
0xcf: {  	[sflag:s3] =	ssyncset.done $0x0  }
0xd0: {  	[sflag:s3] =	ssyncadd.s32 $0xFFFFC000  }
0xd1: {  	[tilespmem:s12], [sflag:$0x1] =	stream.indirect.gather [hbm4b:s7+s15], $0x80, s25, s15, $0xb8;
	[tilespmem:$0x10800] =	vst v63  }
0xd2: {  	_ = 	snop  }
0xd3: {  	[tilespmem:s11], [sflag:$0x1] =	stream.indirect.gather [hbm4b:s7+s15], $0x80, s26, s15, $0xb8;
	[tilespmem:$0x10800] =	vst v63  }
0xd4: {  	_ = 	snop  }
0xd5: {  	[tilespmem:s10], [sflag:$0x1] =	stream.indirect.gather [hbm4b:s7+s15], $0x80, s28, s15, $0xb8;
	[tilespmem:$0x10800] =	vst v63  }
0xd6: {  	_ = 	snop  }
0xd7: {  	[tilespmem:s9], [sflag:$0x1] =	stream.indirect.gather [hbm4b:s7+s15], $0x80, s29, s15, $0xb8;
	[tilespmem:$0x10800] =	vst v63  }
0xd8: {  	_ =	swait.ge [sflag:s13], $0x4000  }
0xd9: {  	[sflag:s13] =	ssyncset.done $0x0  }
0xda: {  	[sflag:s13] =	ssyncadd.s32 $0xFFFFC000  }
0xdb: {  	_ =	swait.ge [sflag:s13], $0x4000  }
0xdc: {  	[sflag:s13] =	ssyncset.done $0x0  }
0xdd: {  	[sflag:s13] =	ssyncadd.s32 $0xFFFFC000  }
0xde: {  	_ =	swait.ge [sflag:s13], $0x4000  }
0xdf: {  	[sflag:s13] =	ssyncset.done $0x0  }
0xe0: {  	[sflag:s13] =	ssyncadd.s32 $0xFFFFC000  }
0xe1: {  	_ =	swait.ge [sflag:s13], $0x4000  }
0xe2: {  	[sflag:s13] =	ssyncset.done $0x0  }
0xe3: {  	s1 =	rddreg [dreg:$0x8];
	[sflag:s13] =	ssyncadd.s32 $0xFFFFC000  }
0xe4: {  	[hbm4b:s1+s2] =	stream.linear.scatter [tilespmem:s12], [sflag:$0x2], $0x4000, $0x38;
	[tilespmem:$0x10800] =	vst v63  }
0xe5: {  	_ =	swait.ge [sflag:s3], $0x4000  }
0xe6: {  	[sflag:s3] =	ssyncset.done $0x0  }
0xe7: {  	s1 =	rddreg [dreg:$0x9];
	[sflag:s3] =	ssyncadd.s32 $0xFFFFC000  }
0xe8: {  	[hbm4b:s1+s2] =	stream.linear.scatter [tilespmem:s11], [sflag:$0x2], $0x4000, $0x38;
	[tilespmem:$0x10800] =	vst v63  }
0xe9: {  	_ =	swait.ge [sflag:s3], $0x4000  }
0xea: {  	[sflag:s3] =	ssyncset.done $0x0  }
0xeb: {  	s1 =	rddreg [dreg:$0xa];
	[sflag:s3] =	ssyncadd.s32 $0xFFFFC000  }
0xec: {  	[hbm4b:s1+s2] =	stream.linear.scatter [tilespmem:s10], [sflag:$0x2], $0x4000, $0x38;
	[tilespmem:$0x10800] =	vst v63  }
0xed: {  	_ =	swait.ge [sflag:s3], $0x4000  }
0xee: {  	[sflag:s3] =	ssyncset.done $0x0  }
0xef: {  	s1 =	rddreg [dreg:$0xb];
	[sflag:s3] =	ssyncadd.s32 $0xFFFFC000  }
0xf0: {  	[hbm4b:s1+s2] =	stream.linear.scatter [tilespmem:s9], [sflag:$0x2], $0x4000, $0x38;
	[tilespmem:$0x10800] =	vst v63  }
0xf1: {  	_ =	swait.ge [sflag:s3], $0x4000  }
0xf2: {  	[sflag:s3] =	ssyncset.done $0x0  }
0xf3: {  	[sflag:s3] =	ssyncadd.s32 $0xFFFFC000  }
0xf4: {  	[tilespmem:s12], [sflag:$0x1] =	stream.indirect.gather [hbm4b:s7+s15], $0x80, s21, s15, $0xb8;
	[tilespmem:$0x10800] =	vst v63  }
0xf5: {  	_ = 	snop  }
0xf6: {  	[tilespmem:s11], [sflag:$0x1] =	stream.indirect.gather [hbm4b:s7+s15], $0x80, s22, s15, $0xb8;
	[tilespmem:$0x10800] =	vst v63  }
0xf7: {  	_ = 	snop  }
0xf8: {  	[tilespmem:s10], [sflag:$0x1] =	stream.indirect.gather [hbm4b:s7+s15], $0x80, s23, s15, $0xb8;
	[tilespmem:$0x10800] =	vst v63  }
0xf9: {  	_ = 	snop  }
0xfa: {  	[tilespmem:s9], [sflag:$0x1] =	stream.indirect.gather [hbm4b:s7+s15], $0x80, s24, s15, $0xb8;
	[tilespmem:$0x10800] =	vst v63  }
0xfb: {  	_ =	swait.ge [sflag:s13], $0x4000  }
0xfc: {  	[sflag:s13] =	ssyncset.done $0x0  }
0xfd: {  	[sflag:s13] =	ssyncadd.s32 $0xFFFFC000  }
0xfe: {  	_ =	swait.ge [sflag:s13], $0x4000  }
0xff: {  	[sflag:s13] =	ssyncset.done $0x0  }
0x100: {  	[sflag:s13] =	ssyncadd.s32 $0xFFFFC000  }
0x101: {  	_ =	swait.ge [sflag:s13], $0x4000  }
0x102: {  	[sflag:s13] =	ssyncset.done $0x0  }
0x103: {  	[sflag:s13] =	ssyncadd.s32 $0xFFFFC000  }
0x104: {  	_ =	swait.ge [sflag:s13], $0x4000  }
0x105: {  	[sflag:s13] =	ssyncset.done $0x0  }
0x106: {  	s1 =	rddreg [dreg:$0xc];
	[sflag:s13] =	ssyncadd.s32 $0xFFFFC000  }
0x107: {  	[hbm4b:s1+s2] =	stream.linear.scatter [tilespmem:s12], [sflag:$0x2], $0x4000, $0x38;
	[tilespmem:$0x10800] =	vst v63  }
0x108: {  	_ =	swait.ge [sflag:s3], $0x4000  }
0x109: {  	[sflag:s3] =	ssyncset.done $0x0  }
0x10a: {  	s1 =	rddreg [dreg:$0xd];
	[sflag:s3] =	ssyncadd.s32 $0xFFFFC000  }
0x10b: {  	[hbm4b:s1+s2] =	stream.linear.scatter [tilespmem:s11], [sflag:$0x2], $0x4000, $0x38;
	[tilespmem:$0x10800] =	vst v63  }
0x10c: {  	_ =	swait.ge [sflag:s3], $0x4000  }
0x10d: {  	[sflag:s3] =	ssyncset.done $0x0  }
0x10e: {  	[sflag:s3] =	ssyncadd.s32 $0xFFFFC000  }
0x10f: {  	[hbm4b:s16+s2] =	stream.linear.scatter [tilespmem:s10], [sflag:$0x2], $0x4000, $0x38;
	[tilespmem:$0x10800] =	vst v63  }
0x110: {  	_ =	swait.ge [sflag:s3], $0x4000  }
0x111: {  	[sflag:s3] =	ssyncset.done $0x0  }
0x112: {  	[sflag:s3] =	ssyncadd.s32 $0xFFFFC000  }
0x113: {  	[hbm4b:s14+s2] =	stream.linear.scatter [tilespmem:s9], [sflag:$0x2], $0x4000, $0x38;
	[tilespmem:$0x10800] =	vst v63  }
0x114: {  	_ =	swait.ge [sflag:s3], $0x4000  }
0x115: {  	[sflag:s3] =	ssyncset.done $0x0  }
0x116: {  	[sflag:s3] =	ssyncadd.s32 $0xFFFFC000  }
0x117: {  	[tilespmem:s12], [sflag:$0x1] =	stream.indirect.gather [hbm4b:s7+s15], $0x80, s17, s15, $0xb8;
	[tilespmem:$0x10800] =	vst v63  }
0x118: {  	_ = 	snop  }
0x119: {  	[tilespmem:s11], [sflag:$0x1] =	stream.indirect.gather [hbm4b:s7+s15], $0x80, s18, s15, $0xb8;
	[tilespmem:$0x10800] =	vst v63  }
0x11a: {  	_ = 	snop  }
0x11b: {  	[tilespmem:s10], [sflag:$0x1] =	stream.indirect.gather [hbm4b:s7+s15], $0x80, s19, s15, $0xb8;
	[tilespmem:$0x10800] =	vst v63  }
0x11c: {  	_ = 	snop  }
0x11d: {  	[tilespmem:s9], [sflag:$0x1] =	stream.indirect.gather [hbm4b:s7+s15], $0x80, s20, s15, $0xb8;
	[tilespmem:$0x10800] =	vst v63  }
0x11e: {  	_ =	swait.ge [sflag:s13], $0x4000  }
0x11f: {  	[sflag:s13] =	ssyncset.done $0x0  }
0x120: {  	[sflag:s13] =	ssyncadd.s32 $0xFFFFC000  }
0x121: {  	_ =	swait.ge [sflag:s13], $0x4000  }
0x122: {  	[sflag:s13] =	ssyncset.done $0x0  }
0x123: {  	[sflag:s13] =	ssyncadd.s32 $0xFFFFC000  }
0x124: {  	_ =	swait.ge [sflag:s13], $0x4000  }
0x125: {  	[sflag:s13] =	ssyncset.done $0x0  }
0x126: {  	[sflag:s13] =	ssyncadd.s32 $0xFFFFC000  }
0x127: {  	_ =	swait.ge [sflag:s13], $0x4000  }
0x128: {  	[sflag:s13] =	ssyncset.done $0x0  }
0x129: {  	[sflag:s13] =	ssyncadd.s32 $0xFFFFC000  }
0x12a: {  	[hbm4b:s8+s2] =	stream.linear.scatter [tilespmem:s12], [sflag:$0x2], $0x4000, $0x38;
	[tilespmem:$0x10800] =	vst v63  }
0x12b: {  	_ =	swait.ge [sflag:s3], $0x4000  }
0x12c: {  	[sflag:s3] =	ssyncset.done $0x0  }
0x12d: {  	[sflag:s3] =	ssyncadd.s32 $0xFFFFC000  }
0x12e: {  	[hbm4b:s6+s2] =	stream.linear.scatter [tilespmem:s11], [sflag:$0x2], $0x4000, $0x38;
	[tilespmem:$0x10800] =	vst v63  }
0x12f: {  	_ =	swait.ge [sflag:s3], $0x4000  }
0x130: {  	[sflag:s3] =	ssyncset.done $0x0  }
0x131: {  	[sflag:s3] =	ssyncadd.s32 $0xFFFFC000  }
0x132: {  	[hbm4b:s5+s2] =	stream.linear.scatter [tilespmem:s10], [sflag:$0x2], $0x4000, $0x38;
	[tilespmem:$0x10800] =	vst v63  }
0x133: {  	p1 =	sne.s32 s0, $0x1;
	_ =	swait.ge [sflag:s3], $0x4000  }
.Ltmp2:
0x134: {  	[sflag:s3] =	ssyncset.done $0x0;
	(pc) =	sbr.rel @p1 .LBB2_2-.Ltmp2, $4  }
0x135: {  	[sflag:s3] =	ssyncadd.s32 $0xFFFFC000  }
0x136: {  	[hbm4b:s4+s2] =	stream.linear.scatter [tilespmem:s9], [sflag:$0x2], $0x4000, $0x38;
	[tilespmem:$0x10800] =	vst v63  }
0x137: {  	_ =	swait.ge [sflag:s3], $0x4000  }
0x138: {  	s0 =	sadd.s32 $0xFFFFFFFF, s0;
	s1 =	rddreg [dreg:$0x3];
	[sflag:s3] =	ssyncset.done $0x0  }
.LBB2_3:
0x139: {  	[sflag:s3] =	ssyncadd.s32 @p0 $0xFFFFC000  }
0x13a: {  	[tilespmem:s2], [sflag:$0x2] =	stream.linear.gather [hbm4b:s1+s2], $0x800, $0x38;
	[tilespmem:$0x10800] =	vst v63  }
0x13b: {  	_ =	swait.ge [sflag:s3], $0x800  }
0x13c: {  	[sflag:s3] =	ssyncset.done $0x0  }
0x13d: {  	[sflag:s3] =	ssyncadd.s32 $0xFFFFF800  }
0x13e: {  	[tilespmem:s12], [sflag:$0x1] =	stream.indirect.gather [hbm4b:s7+s15], $0x80, s2, s15, $0xb8;
	[tilespmem:$0x10800] =	vst v63  }
0x13f: {  	_ = 	snop  }
0x140: {  	[tilespmem:s11], [sflag:$0x1] =	stream.indirect.gather [hbm4b:s7+s15], $0x80, s15, s15, $0xb8;
	[tilespmem:$0x10800] =	vst v63  }
0x141: {  	_ = 	snop  }
0x142: {  	[tilespmem:s10], [sflag:$0x1] =	stream.indirect.gather [hbm4b:s7+s15], $0x80, s30, s15, $0xb8;
	[tilespmem:$0x10800] =	vst v63  }
0x143: {  	_ = 	snop  }
0x144: {  	[tilespmem:s9], [sflag:$0x1] =	stream.indirect.gather [hbm4b:s7+s15], $0x80, s31, s15, $0xb8;
	[tilespmem:$0x10800] =	vst v63  }
0x145: {  	_ =	swait.ge [sflag:s13], $0x4000  }
0x146: {  	[sflag:s13] =	ssyncset.done $0x0  }
0x147: {  	[sflag:s13] =	ssyncadd.s32 $0xFFFFC000  }
0x148: {  	_ =	swait.ge [sflag:s13], $0x4000  }
0x149: {  	[sflag:s13] =	ssyncset.done $0x0  }
0x14a: {  	[sflag:s13] =	ssyncadd.s32 $0xFFFFC000  }
0x14b: {  	_ =	swait.ge [sflag:s13], $0x4000  }
0x14c: {  	[sflag:s13] =	ssyncset.done $0x0  }
0x14d: {  	[sflag:s13] =	ssyncadd.s32 $0xFFFFC000  }
0x14e: {  	_ =	swait.ge [sflag:s13], $0x4000  }
0x14f: {  	[sflag:s13] =	ssyncset.done $0x0  }
0x150: {  	s0 =	rddreg [dreg:$0x4];
	[sflag:s13] =	ssyncadd.s32 $0xFFFFC000  }
0x151: {  	[hbm4b:s0+s2] =	stream.linear.scatter [tilespmem:s12], [sflag:$0x2], $0x4000, $0x38;
	[tilespmem:$0x10800] =	vst v63  }
0x152: {  	_ =	swait.ge [sflag:s3], $0x4000  }
0x153: {  	[sflag:s3] =	ssyncset.done $0x0  }
0x154: {  	s1 =	rddreg [dreg:$0x5];
	[sflag:s3] =	ssyncadd.s32 $0xFFFFC000  }
0x155: {  	[hbm4b:s1+s2] =	stream.linear.scatter [tilespmem:s11], [sflag:$0x2], $0x4000, $0x38;
	[tilespmem:$0x10800] =	vst v63  }
0x156: {  	_ =	swait.ge [sflag:s3], $0x4000  }
0x157: {  	[sflag:s3] =	ssyncset.done $0x0  }
0x158: {  	s30 =	rddreg [dreg:$0x6];
	[sflag:s3] =	ssyncadd.s32 $0xFFFFC000  }
0x159: {  	[hbm4b:s30+s2] =	stream.linear.scatter [tilespmem:s10], [sflag:$0x2], $0x4000, $0x38;
	[tilespmem:$0x10800] =	vst v63  }
0x15a: {  	_ =	swait.ge [sflag:s3], $0x4000  }
0x15b: {  	[sflag:s3] =	ssyncset.done $0x0  }
0x15c: {  	s31 =	rddreg [dreg:$0x7];
	[sflag:s3] =	ssyncadd.s32 $0xFFFFC000  }
0x15d: {  	[hbm4b:s31+s2] =	stream.linear.scatter [tilespmem:s9], [sflag:$0x2], $0x4000, $0x38;
	[tilespmem:$0x10800] =	vst v63  }
0x15e: {  	_ =	swait.ge [sflag:s3], $0x4000  }
0x15f: {  	[sflag:s3] =	ssyncset.done $0x0  }
0x160: {  	[sflag:s3] =	ssyncadd.s32 $0xFFFFC000  }
0x161: {  	[tilespmem:s12], [sflag:$0x1] =	stream.indirect.gather [hbm4b:s7+s15], $0x80, s25, s15, $0xb8;
	[tilespmem:$0x10800] =	vst v63  }
0x162: {  	_ = 	snop  }
0x163: {  	[tilespmem:s11], [sflag:$0x1] =	stream.indirect.gather [hbm4b:s7+s15], $0x80, s26, s15, $0xb8;
	[tilespmem:$0x10800] =	vst v63  }
0x164: {  	_ = 	snop  }
0x165: {  	[tilespmem:s10], [sflag:$0x1] =	stream.indirect.gather [hbm4b:s7+s15], $0x80, s28, s15, $0xb8;
	[tilespmem:$0x10800] =	vst v63  }
0x166: {  	_ = 	snop  }
0x167: {  	[tilespmem:s9], [sflag:$0x1] =	stream.indirect.gather [hbm4b:s7+s15], $0x80, s29, s15, $0xb8;
	[tilespmem:$0x10800] =	vst v63  }
0x168: {  	_ =	swait.ge [sflag:s13], $0x4000  }
0x169: {  	[sflag:s13] =	ssyncset.done $0x0  }
0x16a: {  	[sflag:s13] =	ssyncadd.s32 $0xFFFFC000  }
0x16b: {  	_ =	swait.ge [sflag:s13], $0x4000  }
0x16c: {  	[sflag:s13] =	ssyncset.done $0x0  }
0x16d: {  	[sflag:s13] =	ssyncadd.s32 $0xFFFFC000  }
0x16e: {  	_ =	swait.ge [sflag:s13], $0x4000  }
0x16f: {  	[sflag:s13] =	ssyncset.done $0x0  }
0x170: {  	[sflag:s13] =	ssyncadd.s32 $0xFFFFC000  }
0x171: {  	_ =	swait.ge [sflag:s13], $0x4000  }
0x172: {  	[sflag:s13] =	ssyncset.done $0x0  }
0x173: {  	s1 =	rddreg [dreg:$0x8];
	[sflag:s13] =	ssyncadd.s32 $0xFFFFC000  }
0x174: {  	[hbm4b:s1+s2] =	stream.linear.scatter [tilespmem:s12], [sflag:$0x2], $0x4000, $0x38;
	[tilespmem:$0x10800] =	vst v63  }
0x175: {  	_ =	swait.ge [sflag:s3], $0x4000  }
0x176: {  	[sflag:s3] =	ssyncset.done $0x0  }
0x177: {  	s25 =	rddreg [dreg:$0x9];
	[sflag:s3] =	ssyncadd.s32 $0xFFFFC000  }
0x178: {  	[hbm4b:s25+s2] =	stream.linear.scatter [tilespmem:s11], [sflag:$0x2], $0x4000, $0x38;
	[tilespmem:$0x10800] =	vst v63  }
0x179: {  	_ =	swait.ge [sflag:s3], $0x4000  }
0x17a: {  	[sflag:s3] =	ssyncset.done $0x0  }
0x17b: {  	s26 =	rddreg [dreg:$0xa];
	[sflag:s3] =	ssyncadd.s32 $0xFFFFC000  }
0x17c: {  	[hbm4b:s26+s2] =	stream.linear.scatter [tilespmem:s10], [sflag:$0x2], $0x4000, $0x38;
	[tilespmem:$0x10800] =	vst v63  }
0x17d: {  	_ =	swait.ge [sflag:s3], $0x4000  }
0x17e: {  	[sflag:s3] =	ssyncset.done $0x0  }
0x17f: {  	s28 =	rddreg [dreg:$0xb];
	[sflag:s3] =	ssyncadd.s32 $0xFFFFC000  }
0x180: {  	[hbm4b:s28+s2] =	stream.linear.scatter [tilespmem:s9], [sflag:$0x2], $0x4000, $0x38;
	[tilespmem:$0x10800] =	vst v63  }
0x181: {  	_ =	swait.ge [sflag:s3], $0x4000  }
0x182: {  	[sflag:s3] =	ssyncset.done $0x0  }
0x183: {  	[sflag:s3] =	ssyncadd.s32 $0xFFFFC000  }
0x184: {  	[tilespmem:s12], [sflag:$0x1] =	stream.indirect.gather [hbm4b:s7+s15], $0x80, s21, s15, $0xb8;
	[tilespmem:$0x10800] =	vst v63  }
0x185: {  	_ = 	snop  }
0x186: {  	[tilespmem:s11], [sflag:$0x1] =	stream.indirect.gather [hbm4b:s7+s15], $0x80, s22, s15, $0xb8;
	[tilespmem:$0x10800] =	vst v63  }
0x187: {  	_ = 	snop  }
0x188: {  	[tilespmem:s10], [sflag:$0x1] =	stream.indirect.gather [hbm4b:s7+s15], $0x80, s23, s15, $0xb8;
	[tilespmem:$0x10800] =	vst v63  }
0x189: {  	_ = 	snop  }
0x18a: {  	[tilespmem:s9], [sflag:$0x1] =	stream.indirect.gather [hbm4b:s7+s15], $0x80, s24, s15, $0xb8;
	[tilespmem:$0x10800] =	vst v63  }
0x18b: {  	_ =	swait.ge [sflag:s13], $0x4000  }
0x18c: {  	[sflag:s13] =	ssyncset.done $0x0  }
0x18d: {  	[sflag:s13] =	ssyncadd.s32 $0xFFFFC000  }
0x18e: {  	_ =	swait.ge [sflag:s13], $0x4000  }
0x18f: {  	[sflag:s13] =	ssyncset.done $0x0  }
0x190: {  	[sflag:s13] =	ssyncadd.s32 $0xFFFFC000  }
0x191: {  	_ =	swait.ge [sflag:s13], $0x4000  }
0x192: {  	[sflag:s13] =	ssyncset.done $0x0  }
0x193: {  	[sflag:s13] =	ssyncadd.s32 $0xFFFFC000  }
0x194: {  	_ =	swait.ge [sflag:s13], $0x4000  }
0x195: {  	[sflag:s13] =	ssyncset.done $0x0  }
0x196: {  	s29 =	rddreg [dreg:$0xc];
	[sflag:s13] =	ssyncadd.s32 $0xFFFFC000  }
0x197: {  	[hbm4b:s29+s2] =	stream.linear.scatter [tilespmem:s12], [sflag:$0x2], $0x4000, $0x38;
	[tilespmem:$0x10800] =	vst v63  }
0x198: {  	_ =	swait.ge [sflag:s3], $0x4000  }
0x199: {  	[sflag:s3] =	ssyncset.done $0x0  }
0x19a: {  	s30 =	rddreg [dreg:$0xd];
	[sflag:s3] =	ssyncadd.s32 $0xFFFFC000  }
0x19b: {  	[hbm4b:s30+s2] =	stream.linear.scatter [tilespmem:s11], [sflag:$0x2], $0x4000, $0x38;
	[tilespmem:$0x10800] =	vst v63  }
0x19c: {  	_ =	swait.ge [sflag:s3], $0x4000  }
0x19d: {  	[sflag:s3] =	ssyncset.done $0x0  }
0x19e: {  	[sflag:s3] =	ssyncadd.s32 $0xFFFFC000  }
0x19f: {  	[hbm4b:s16+s2] =	stream.linear.scatter [tilespmem:s10], [sflag:$0x2], $0x4000, $0x38;
	[tilespmem:$0x10800] =	vst v63  }
0x1a0: {  	_ =	swait.ge [sflag:s3], $0x4000  }
0x1a1: {  	[sflag:s3] =	ssyncset.done $0x0  }
0x1a2: {  	[sflag:s3] =	ssyncadd.s32 $0xFFFFC000  }
0x1a3: {  	[hbm4b:s14+s2] =	stream.linear.scatter [tilespmem:s9], [sflag:$0x2], $0x4000, $0x38;
	[tilespmem:$0x10800] =	vst v63  }
0x1a4: {  	_ =	swait.ge [sflag:s3], $0x4000  }
0x1a5: {  	[sflag:s3] =	ssyncset.done $0x0  }
0x1a6: {  	[sflag:s3] =	ssyncadd.s32 $0xFFFFC000  }
0x1a7: {  	[tilespmem:s12], [sflag:$0x1] =	stream.indirect.gather [hbm4b:s7+s15], $0x80, s17, s15, $0xb8;
	[tilespmem:$0x10800] =	vst v63  }
0x1a8: {  	_ = 	snop  }
0x1a9: {  	[tilespmem:s11], [sflag:$0x1] =	stream.indirect.gather [hbm4b:s7+s15], $0x80, s18, s15, $0xb8;
	[tilespmem:$0x10800] =	vst v63  }
0x1aa: {  	_ = 	snop  }
0x1ab: {  	[tilespmem:s10], [sflag:$0x1] =	stream.indirect.gather [hbm4b:s7+s15], $0x80, s19, s15, $0xb8;
	[tilespmem:$0x10800] =	vst v63  }
0x1ac: {  	_ = 	snop  }
0x1ad: {  	[tilespmem:s9], [sflag:$0x1] =	stream.indirect.gather [hbm4b:s7+s15], $0x80, s20, s15, $0xb8;
	[tilespmem:$0x10800] =	vst v63  }
0x1ae: {  	_ =	swait.ge [sflag:s13], $0x4000  }
0x1af: {  	[sflag:s13] =	ssyncset.done $0x0  }
0x1b0: {  	[sflag:s13] =	ssyncadd.s32 $0xFFFFC000  }
0x1b1: {  	_ =	swait.ge [sflag:s13], $0x4000  }
0x1b2: {  	[sflag:s13] =	ssyncset.done $0x0  }
0x1b3: {  	[sflag:s13] =	ssyncadd.s32 $0xFFFFC000  }
0x1b4: {  	_ =	swait.ge [sflag:s13], $0x4000  }
0x1b5: {  	[sflag:s13] =	ssyncset.done $0x0  }
0x1b6: {  	[sflag:s13] =	ssyncadd.s32 $0xFFFFC000  }
0x1b7: {  	_ =	swait.ge [sflag:s13], $0x4000  }
0x1b8: {  	[sflag:s13] =	ssyncset.done $0x0  }
0x1b9: {  	[sflag:s13] =	ssyncadd.s32 $0xFFFFC000  }
0x1ba: {  	[hbm4b:s8+s2] =	stream.linear.scatter [tilespmem:s12], [sflag:$0x2], $0x4000, $0x38;
	[tilespmem:$0x10800] =	vst v63  }
0x1bb: {  	_ =	swait.ge [sflag:s3], $0x4000  }
0x1bc: {  	[sflag:s3] =	ssyncset.done $0x0  }
0x1bd: {  	[sflag:s3] =	ssyncadd.s32 $0xFFFFC000  }
0x1be: {  	[hbm4b:s6+s2] =	stream.linear.scatter [tilespmem:s11], [sflag:$0x2], $0x4000, $0x38;
	[tilespmem:$0x10800] =	vst v63  }
0x1bf: {  	_ =	swait.ge [sflag:s3], $0x4000  }
0x1c0: {  	[sflag:s3] =	ssyncset.done $0x0  }
0x1c1: {  	[sflag:s3] =	ssyncadd.s32 $0xFFFFC000  }
0x1c2: {  	[hbm4b:s5+s2] =	stream.linear.scatter [tilespmem:s10], [sflag:$0x2], $0x4000, $0x38;
	[tilespmem:$0x10800] =	vst v63  }
0x1c3: {  	_ =	swait.ge [sflag:s3], $0x4000  }
0x1c4: {  	[sflag:s3] =	ssyncset.done $0x0  }
0x1c5: {  	[sflag:s3] =	ssyncadd.s32 $0xFFFFC000  }
0x1c6: {  	[hbm4b:s4+s2] =	stream.linear.scatter [tilespmem:s9], [sflag:$0x2], $0x4000, $0x38;
	[tilespmem:$0x10800] =	vst v63  }
0x1c7: {  	_ =	swait.ge [sflag:s3], $0x4000  }
0x1c8: {  	[sflag:s3] =	ssyncset.done $0x0  }
0x1c9: {  	[sflag:s3] =	ssyncadd.s32 $0xFFFFC000  }
0x1ca: {  	_ =	sfence.sel $0x180000  }
0x1cb: {  	[bflag:$0x0] =	sbarrier.arrive $0xFFFF  }
0x1cc: {  	_ =	strace $0x90000047  }
0x1cd: {  	s31 =	stileid.u32;
	[bflag:$0x2] =	sbarrier.arrive $0xFFFF  }
0x1ce: {  	p0 =	sne.s32 s31, $0x0;
	s0 =	rddreg [dreg:$0x2]  }
0x1cf: {  	s0 =	sadd.s32 @!p0 $0x100000, s0  }
0x1d0: {  	[sflag:s0] =	ssyncadd.tile.s32 @!p0 $0x1;
	_ =	shalt  }
.Lfunc_end2:
_tile_overlayer_lowered:
.L_overlay_start_2:
0x1d1: {  	(tag) =	ssettag $0x2  }
0x1d2: {  	s0 =	rddreg [dreg:$0x0];
	s2 =	stileid.u32  }
0x1d3: {  	s1 =	rddreg [dreg:$0x1];
	p0 =	sne.s32 s2, $0x0  }
0x1d4: {  	s3 =	rddreg [dreg:$0x2];
	[bflag:$0x3] =	sbarrier.arrive $0xFFFF;
	s2 =	simm.s32 @!p0 $0x1C02  }
0x1d5: {  	[timem:s3], [sflag:s2] =	dma.local @!p0 [hbm:s0], s1  }
0x1d6: {  	s0 =	simm.s32 @!p0 $0x2  }
0x1d7: {  	_ =	swait.ge @!p0 [sflag:s0], s1  }
0x1d8: {  	s1 =	ssub.s32 @!p0 $0x0, s1;
	[sflag:s0] =	ssyncset.done @!p0 $0x0  }
0x1d9: {  	[sflag:s0] =	ssyncadd.s32 @!p0 s1  }
0x1da: {  	[bflag:$0x3] =	sbarrier.arrive $0xFFFF  }
0x1db: {  	_ =	shalt  }

</sc_bundles>
